<compile_context>
chip_gen: v7x
topology: tpu7x:2x2x1
jax: 0.10.2.dev20260603
libtpu: 0.0.44.dev20260713+nightly
codegen_flags: <defaults>
</compile_context>

<pallas_src>
import functools

import jax
import jax.numpy as jnp
from jax import lax
from jax.experimental import pallas as pl
from jax.experimental.pallas import tpu as pltpu
from jax.experimental.pallas import tpu_sc as plsc

N_GRID_STATIC = 10000
N_MESH = 10000
D_IN = 128
D_HID = 256
D_OUT = 128
N_EDGES = 320000

NC = 2
NS = 16
NW = NC * NS
EB = 64
KB = -(-N_EDGES // (NW * EB))
EPAD = NW * KB * EB
assert KB % 3 == 1, "3-deep SC ring below assumes KB = 3k + 1"
CNT_W = 16
ROWS_PER_SUB = 632
ACC_ROWS = NS * ROWS_PER_SUB
DUMMY_ROW = N_GRID_STATIC


def _widen_idx(idx16_ref, j, out_ref):
    for h in range(EB // 32):
        w = plsc.bitcast(idx16_ref[j, pl.ds(32 * h, 32)], jnp.int32)
        out_ref[pl.ds(32 * h, 16)] = jnp.bitwise_and(w, jnp.int32(0xFFFF))
        out_ref[pl.ds(32 * h + 16, 16)] = jax.lax.shift_right_logical(
            w, jnp.int32(16))


def _sc_gather_scatter(mesh_features, src3, dst3, zrows, zcnt, ones_blk):
    mesh = plsc.VectorSubcoreMesh(core_axis_name="c", subcore_axis_name="s")

    @functools.partial(
        pl.kernel,
        out_type=(
            jax.ShapeDtypeStruct((NC, ACC_ROWS, D_IN), jnp.float32),
            jax.ShapeDtypeStruct((NC, ACC_ROWS, CNT_W), jnp.float32),
        ),
        mesh=mesh,
        compiler_params=pltpu.CompilerParams(use_tc_tiling_on_sc=False,
                                             needs_layout_passes=False),
        scratch_types=[
            pltpu.VMEM((KB, EB), jnp.int16),
            pltpu.VMEM((KB, EB), jnp.int16),
            [pltpu.VMEM((EB, D_IN), jnp.float32) for _ in range(3)],
            [pltpu.VMEM((EB,), jnp.int32) for _ in range(3)],
            pltpu.VMEM((EB,), jnp.int32),
            pltpu.VMEM((EB, CNT_W), jnp.float32),
            pltpu.VMEM_SHARED((ACC_ROWS, D_IN), jnp.float32),
            pltpu.VMEM_SHARED((ACC_ROWS, CNT_W), jnp.float32),
            [pltpu.SemaphoreType.DMA for _ in range(3)],
        ],
    )
    def k(mesh_hbm, src_hbm, dst_hbm, zrows_hbm, zcnt_hbm, ones_hbm,
          psum_hbm, pcnt_hbm,
          src16_v, dst16_v, rows, s32, d32, ones_v, acc_sh, cnt_sh, sems):
        cid = lax.axis_index("c")
        sid = lax.axis_index("s")
        wid = sid * NC + cid
        base = sid * ROWS_PER_SUB

        pltpu.sync_copy(zrows_hbm, acc_sh.at[pl.ds(base, ROWS_PER_SUB)])
        pltpu.sync_copy(zcnt_hbm, cnt_sh.at[pl.ds(base, ROWS_PER_SUB)])
        pltpu.sync_copy(src_hbm.at[wid], src16_v)
        pltpu.sync_copy(dst_hbm.at[wid], dst16_v)
        pltpu.sync_copy(ones_hbm, ones_v)
        plsc.subcore_barrier()

        def issue(b, j):
            _widen_idx(src16_v, j, s32[b])
            pltpu.async_copy(mesh_hbm.at[s32[b]], rows[b], sems[b])

        def drain(b, j):
            pltpu.make_async_copy(mesh_hbm.at[s32[b]], rows[b], sems[b]).wait()
            _widen_idx(dst16_v, j, d32)
            pltpu.sync_copy(rows[b], acc_sh.at[d32], add=True)
            pltpu.sync_copy(ones_v, cnt_sh.at[d32], add=True)

        issue(0, 0)
        issue(1, 1)

        @pl.loop(0, KB - 6, step=3)
        def _(j):
            issue(2, j + 2)
            drain(0, j)
            issue(0, j + 3)
            drain(1, j + 1)
            issue(1, j + 4)
            drain(2, j + 2)

        issue(2, KB - 2)
        drain(0, KB - 4)
        issue(0, KB - 1)
        drain(1, KB - 3)
        drain(2, KB - 2)
        drain(0, KB - 1)

        plsc.subcore_barrier()
        pltpu.sync_copy(acc_sh.at[pl.ds(base, ROWS_PER_SUB)],
                        psum_hbm.at[cid, pl.ds(base, ROWS_PER_SUB)])
        pltpu.sync_copy(cnt_sh.at[pl.ds(base, ROWS_PER_SUB)],
                        pcnt_hbm.at[cid, pl.ds(base, ROWS_PER_SUB)])

    return k(mesh_features, src3, dst3, zrows, zcnt, ones_blk)


def _mlp_body(p_ref, c_ref, w1_ref, b1_ref, w2_ref, b2_ref, o_ref):
    p = p_ref[0] + p_ref[1]
    cnt = c_ref[0, :, :1] + c_ref[1, :, :1]
    agg = p / jnp.maximum(cnt, 1.0)
    h = jnp.dot(agg, w1_ref[...], preferred_element_type=jnp.float32)
    h = h + b1_ref[...]
    h = h * jax.nn.sigmoid(h)
    out = jnp.dot(h, w2_ref[...], preferred_element_type=jnp.float32)
    o_ref[...] = out + b2_ref[...]


def _tc_mean_mlp(psum, pcnt, w1t, b1, w2t, b2):
    R = 1000
    grid = (N_GRID_STATIC // R,)
    return pl.pallas_call(
        _mlp_body,
        grid=grid,
        in_specs=[
            pl.BlockSpec((NC, R, D_IN), lambda i: (0, i, 0)),
            pl.BlockSpec((NC, R, CNT_W), lambda i: (0, i, 0)),
            pl.BlockSpec((D_IN, D_HID), lambda i: (0, 0)),
            pl.BlockSpec((1, D_HID), lambda i: (0, 0)),
            pl.BlockSpec((D_HID, D_OUT), lambda i: (0, 0)),
            pl.BlockSpec((1, D_OUT), lambda i: (0, 0)),
        ],
        out_specs=pl.BlockSpec((R, D_OUT), lambda i: (i, 0)),
        out_shape=jax.ShapeDtypeStruct((N_GRID_STATIC, D_OUT), jnp.float32),
    )(psum, pcnt, w1t, b1.reshape(1, D_HID), w2t, b2.reshape(1, D_OUT))


def kernel(mesh_features, edge_index, n_grid_nodes, W1, b1, W2, b2):
    src = edge_index[0].astype(jnp.int32)
    off = jnp.asarray(n_grid_nodes).astype(jnp.int32) - jnp.int32(N_GRID_STATIC)
    dst = edge_index[1].astype(jnp.int32) + off

    pad = EPAD - N_EDGES
    pad_dst = DUMMY_ROW + jnp.arange(pad, dtype=jnp.int32) % (ACC_ROWS - DUMMY_ROW)
    src3 = jnp.concatenate(
        [src, jnp.zeros((pad,), jnp.int32)]).astype(jnp.int16).reshape(NW, KB, EB)
    dst3 = jnp.concatenate(
        [dst, pad_dst]).astype(jnp.int16).reshape(NW, KB, EB)

    zrows = jnp.zeros((ROWS_PER_SUB, D_IN), jnp.float32)
    zcnt = jnp.zeros((ROWS_PER_SUB, CNT_W), jnp.float32)
    ones_blk = jnp.ones((EB, CNT_W), jnp.float32)

    psum, pcnt = _sc_gather_scatter(mesh_features, src3, dst3,
                                    zrows, zcnt, ones_blk)
    return _tc_mean_mlp(psum, pcnt, W1.T, b1, W2.T, b2)

# --- scband reference (transcript-rebuilt; emitter-appended) ---
"""Pipeline reference for scband-regional-decoder-90305982366364 (READ-ONLY COPY).

The authoritative reference and input builder live on the scoring server;
editing this copy changes nothing except your own understanding.
"""

import jax, jax.numpy as jnp
import numpy as np

N_MESH = 10000
N_EDGES = 320000
D_IN = 128
D_HID = 256
D_OUT = 128
N_GRID = 10000


def setup_inputs(seed: int = 0) -> dict:
    key = jax.random.key(seed)
    k1, k2, k3, k4, k5, k6 = jax.random.split(key, 6)
    mesh_features = jax.random.normal(k1, (N_MESH, D_IN), dtype=jnp.float32)
    edge_index = jax.random.randint(k2, (2, N_EDGES), 0, N_GRID, dtype=jnp.int64 if jax.config.jax_enable_x64 else jnp.int32)
    # MLP params (torch nn.Linear: y = x @ W.T + b), Kaiming-uniform-like init
    lim1 = 1.0 / np.sqrt(D_IN)
    W1 = jax.random.uniform(k3, (D_HID, D_IN), minval=-lim1, maxval=lim1, dtype=jnp.float32)
    b1 = jax.random.uniform(k4, (D_HID,), minval=-lim1, maxval=lim1, dtype=jnp.float32)
    lim2 = 1.0 / np.sqrt(D_HID)
    W2 = jax.random.uniform(k5, (D_OUT, D_HID), minval=-lim2, maxval=lim2, dtype=jnp.float32)
    b2 = jax.random.uniform(k6, (D_OUT,), minval=-lim2, maxval=lim2, dtype=jnp.float32)
    return {
        "mesh_features": mesh_features,
        "edge_index": edge_index,
        "n_grid_nodes": N_GRID,
        "W1": W1,
        "b1": b1,
        "W2": W2,
        "b2": b2,
    }


def reference(mesh_features, edge_index, n_grid_nodes, W1, b1, W2, b2):
    # gather messages from mesh nodes along edges
    mesh_msg = jnp.take(mesh_features, edge_index[0], axis=0)  # (E, D)
    seg = edge_index[1] + (jnp.asarray(n_grid_nodes) - N_GRID).astype(edge_index.dtype)
    # scatter-mean into grid nodes
    summed = jax.ops.segment_sum(mesh_msg, seg, num_segments=N_GRID)
    counts = jax.ops.segment_sum(jnp.ones((mesh_msg.shape[0],), dtype=mesh_msg.dtype), seg, num_segments=N_GRID)
    grid_agg = summed / jnp.clip(counts, 1.0, None)[:, None]
    # MLP: Linear -> SiLU -> Linear
    h = jax.nn.silu(grid_agg @ W1.T + b1)
    out = h @ W2.T + b2
    return out

if __name__ == "__main__":
    import jax
    _d = setup_inputs()
    print(jax.jit(kernel)(*tuple(_d.values())))

</pallas_src>

<mosaic_0001>
#map = affine_map<(d0, d1) -> (0, 0)>
#map1 = affine_map<(d0, d1) -> (0, 0, 0)>
module attributes {stable_mosaic.version = 14 : i64} {
  func.func @k(%arg0: i32, %arg1: i32, %arg2: memref<10000x128xf32, #tpu.memory_space<hbm>>, %arg3: memref<32x157x64xi16, #tpu.memory_space<hbm>>, %arg4: memref<32x157x64xi16, #tpu.memory_space<hbm>>, %arg5: memref<632x128xf32, #tpu.memory_space<hbm>>, %arg6: memref<632x16xf32, #tpu.memory_space<hbm>>, %arg7: memref<64x16xf32, #tpu.memory_space<hbm>>, %arg8: memref<2x10112x128xf32, #tpu.memory_space<hbm>>, %arg9: memref<2x10112x16xf32, #tpu.memory_space<hbm>>, %arg10: memref<157x64xi16, #tpu.memory_space<vmem>>, %arg11: memref<157x64xi16, #tpu.memory_space<vmem>>, %arg12: memref<64x128xf32, #tpu.memory_space<vmem>>, %arg13: memref<64x128xf32, #tpu.memory_space<vmem>>, %arg14: memref<64x128xf32, #tpu.memory_space<vmem>>, %arg15: memref<64xi32, #tpu.memory_space<vmem>>, %arg16: memref<64xi32, #tpu.memory_space<vmem>>, %arg17: memref<64xi32, #tpu.memory_space<vmem>>, %arg18: memref<64xi32, #tpu.memory_space<vmem>>, %arg19: memref<64x16xf32, #tpu.memory_space<vmem>>, %arg20: memref<10112x128xf32, #tpu.memory_space<vmem_shared>>, %arg21: memref<10112x16xf32, #tpu.memory_space<vmem_shared>>, %arg22: memref<!tpu.dma_semaphore, #tpu.memory_space<semaphore_mem>>, %arg23: memref<!tpu.dma_semaphore, #tpu.memory_space<semaphore_mem>>, %arg24: memref<!tpu.dma_semaphore, #tpu.memory_space<semaphore_mem>>) attributes {dimension_semantics = [#tpu.dimension_semantics<core_parallel>, #tpu.dimension_semantics<subcore_parallel>], iteration_bounds = array<i64: 2, 16>, scalar_prefetch = 0 : i64, scratch_operands = 15 : i64, tpu.core_type = #tpu.core_type<sc_vector_subcore>, window_params = [{transform_indices = #map}, {transform_indices = #map1}, {transform_indices = #map1}, {transform_indices = #map}, {transform_indices = #map}, {transform_indices = #map}, {transform_indices = #map1}, {transform_indices = #map1}]} {
    %mul3A = arith.constant 2 : i32
    %mul3A_0 = arith.muli %arg1, %mul3A : i32
    %add3A = arith.addi %mul3A_0, %arg0 : i32
    %mul3A_1 = arith.constant 632 : i32
    %mul3A_2 = arith.muli %arg1, %mul3A_1 : i32
    "tpu.region"() ({
      %run_scoped3A = tpu.sem_alloc : memref<!tpu.dma_semaphore, #tpu.memory_space<semaphore_mem>>
      %dma_start3A_265 = arith.constant 0 : i32
      %dma_start3A_266 = tpu.memref_slice %arg20[%mul3A_2, %dma_start3A_265] : memref<10112x128xf32, #tpu.memory_space<vmem_shared>> -> memref<632x128xf32, #tpu.memory_space<vmem_shared>>
      tpu.enqueue_dma source(%arg5 : memref<632x128xf32, #tpu.memory_space<hbm>>) target(%dma_start3A_266 : memref<632x128xf32, #tpu.memory_space<vmem_shared>>) target_semaphore(%run_scoped3A : memref<!tpu.dma_semaphore, #tpu.memory_space<semaphore_mem>>)
      %dma_wait3A_267 = arith.constant 0 : i32
      %dma_wait3A_268 = tpu.memref_slice %arg20[%mul3A_2, %dma_wait3A_267] : memref<10112x128xf32, #tpu.memory_space<vmem_shared>> -> memref<632x128xf32, #tpu.memory_space<vmem_shared>>
      tpu.wait_dma2 semaphore(%run_scoped3A : memref<!tpu.dma_semaphore, #tpu.memory_space<semaphore_mem>>) src(%arg5 : memref<632x128xf32, #tpu.memory_space<hbm>>) dst(%dma_wait3A_268 : memref<632x128xf32, #tpu.memory_space<vmem_shared>>)
      tpu.yield
    }) : () -> ()
    "tpu.region"() ({
      %run_scoped3A = tpu.sem_alloc : memref<!tpu.dma_semaphore, #tpu.memory_space<semaphore_mem>>
      %dma_start3A_265 = arith.constant 0 : i32
      %dma_start3A_266 = tpu.memref_slice %arg21[%mul3A_2, %dma_start3A_265] : memref<10112x16xf32, #tpu.memory_space<vmem_shared>> -> memref<632x16xf32, #tpu.memory_space<vmem_shared>>
      tpu.enqueue_dma source(%arg6 : memref<632x16xf32, #tpu.memory_space<hbm>>) target(%dma_start3A_266 : memref<632x16xf32, #tpu.memory_space<vmem_shared>>) target_semaphore(%run_scoped3A : memref<!tpu.dma_semaphore, #tpu.memory_space<semaphore_mem>>)
      %dma_wait3A_267 = arith.constant 0 : i32
      %dma_wait3A_268 = tpu.memref_slice %arg21[%mul3A_2, %dma_wait3A_267] : memref<10112x16xf32, #tpu.memory_space<vmem_shared>> -> memref<632x16xf32, #tpu.memory_space<vmem_shared>>
      tpu.wait_dma2 semaphore(%run_scoped3A : memref<!tpu.dma_semaphore, #tpu.memory_space<semaphore_mem>>) src(%arg6 : memref<632x16xf32, #tpu.memory_space<hbm>>) dst(%dma_wait3A_268 : memref<632x16xf32, #tpu.memory_space<vmem_shared>>)
      tpu.yield
    }) : () -> ()
    "tpu.region"() ({
      %run_scoped3A = tpu.sem_alloc : memref<!tpu.dma_semaphore, #tpu.memory_space<semaphore_mem>>
      %dma_start3A_265 = arith.constant 0 : i32
      %dma_start3A_266 = arith.constant 0 : i32
      %dma_start3A_267 = tpu.memref_slice %arg3[%add3A, %dma_start3A_265, %dma_start3A_266] : memref<32x157x64xi16, #tpu.memory_space<hbm>> -> memref<1x157x64xi16, #tpu.memory_space<hbm>>
      %dma_start3A_268 = tpu.memref_squeeze %dma_start3A_267 : memref<1x157x64xi16, #tpu.memory_space<hbm>> -> memref<157x64xi16, #tpu.memory_space<hbm>>
      %dma_start3A_269 = arith.constant 0 : i32
      %dma_start3A_270 = arith.constant 0 : i32
      %dma_start3A_271 = tpu.memref_slice %arg3[%add3A, %dma_start3A_269, %dma_start3A_270] : memref<32x157x64xi16, #tpu.memory_space<hbm>> -> memref<1x157x64xi16, #tpu.memory_space<hbm>>
      %dma_start3A_272 = tpu.memref_squeeze %dma_start3A_271 : memref<1x157x64xi16, #tpu.memory_space<hbm>> -> memref<157x64xi16, #tpu.memory_space<hbm>>
      tpu.enqueue_dma source(%dma_start3A_272 : memref<157x64xi16, #tpu.memory_space<hbm>>) target(%arg10 : memref<157x64xi16, #tpu.memory_space<vmem>>) target_semaphore(%run_scoped3A : memref<!tpu.dma_semaphore, #tpu.memory_space<semaphore_mem>>)
      %dma_wait3A_273 = arith.constant 0 : i32
      %dma_wait3A_274 = arith.constant 0 : i32
      %dma_wait3A_275 = tpu.memref_slice %arg3[%add3A, %dma_wait3A_273, %dma_wait3A_274] : memref<32x157x64xi16, #tpu.memory_space<hbm>> -> memref<1x157x64xi16, #tpu.memory_space<hbm>>
      %dma_wait3A_276 = tpu.memref_squeeze %dma_wait3A_275 : memref<1x157x64xi16, #tpu.memory_space<hbm>> -> memref<157x64xi16, #tpu.memory_space<hbm>>
      %dma_wait3A_277 = arith.constant 0 : i32
      %dma_wait3A_278 = arith.constant 0 : i32
      %dma_wait3A_279 = tpu.memref_slice %arg3[%add3A, %dma_wait3A_277, %dma_wait3A_278] : memref<32x157x64xi16, #tpu.memory_space<hbm>> -> memref<1x157x64xi16, #tpu.memory_space<hbm>>
      %dma_wait3A_280 = tpu.memref_squeeze %dma_wait3A_279 : memref<1x157x64xi16, #tpu.memory_space<hbm>> -> memref<157x64xi16, #tpu.memory_space<hbm>>
      tpu.wait_dma2 semaphore(%run_scoped3A : memref<!tpu.dma_semaphore, #tpu.memory_space<semaphore_mem>>) src(%dma_wait3A_280 : memref<157x64xi16, #tpu.memory_space<hbm>>) dst(%arg10 : memref<157x64xi16, #tpu.memory_space<vmem>>)
      tpu.yield
    }) : () -> ()
    "tpu.region"() ({
      %run_scoped3A = tpu.sem_alloc : memref<!tpu.dma_semaphore, #tpu.memory_space<semaphore_mem>>
      %dma_start3A_265 = arith.constant 0 : i32
      %dma_start3A_266 = arith.constant 0 : i32
      %dma_start3A_267 = tpu.memref_slice %arg4[%add3A, %dma_start3A_265, %dma_start3A_266] : memref<32x157x64xi16, #tpu.memory_space<hbm>> -> memref<1x157x64xi16, #tpu.memory_space<hbm>>
      %dma_start3A_268 = tpu.memref_squeeze %dma_start3A_267 : memref<1x157x64xi16, #tpu.memory_space<hbm>> -> memref<157x64xi16, #tpu.memory_space<hbm>>
      %dma_start3A_269 = arith.constant 0 : i32
      %dma_start3A_270 = arith.constant 0 : i32
      %dma_start3A_271 = tpu.memref_slice %arg4[%add3A, %dma_start3A_269, %dma_start3A_270] : memref<32x157x64xi16, #tpu.memory_space<hbm>> -> memref<1x157x64xi16, #tpu.memory_space<hbm>>
      %dma_start3A_272 = tpu.memref_squeeze %dma_start3A_271 : memref<1x157x64xi16, #tpu.memory_space<hbm>> -> memref<157x64xi16, #tpu.memory_space<hbm>>
      tpu.enqueue_dma source(%dma_start3A_272 : memref<157x64xi16, #tpu.memory_space<hbm>>) target(%arg11 : memref<157x64xi16, #tpu.memory_space<vmem>>) target_semaphore(%run_scoped3A : memref<!tpu.dma_semaphore, #tpu.memory_space<semaphore_mem>>)
      %dma_wait3A_273 = arith.constant 0 : i32
      %dma_wait3A_274 = arith.constant 0 : i32
      %dma_wait3A_275 = tpu.memref_slice %arg4[%add3A, %dma_wait3A_273, %dma_wait3A_274] : memref<32x157x64xi16, #tpu.memory_space<hbm>> -> memref<1x157x64xi16, #tpu.memory_space<hbm>>
      %dma_wait3A_276 = tpu.memref_squeeze %dma_wait3A_275 : memref<1x157x64xi16, #tpu.memory_space<hbm>> -> memref<157x64xi16, #tpu.memory_space<hbm>>
      %dma_wait3A_277 = arith.constant 0 : i32
      %dma_wait3A_278 = arith.constant 0 : i32
      %dma_wait3A_279 = tpu.memref_slice %arg4[%add3A, %dma_wait3A_277, %dma_wait3A_278] : memref<32x157x64xi16, #tpu.memory_space<hbm>> -> memref<1x157x64xi16, #tpu.memory_space<hbm>>
      %dma_wait3A_280 = tpu.memref_squeeze %dma_wait3A_279 : memref<1x157x64xi16, #tpu.memory_space<hbm>> -> memref<157x64xi16, #tpu.memory_space<hbm>>
      tpu.wait_dma2 semaphore(%run_scoped3A : memref<!tpu.dma_semaphore, #tpu.memory_space<semaphore_mem>>) src(%dma_wait3A_280 : memref<157x64xi16, #tpu.memory_space<hbm>>) dst(%arg11 : memref<157x64xi16, #tpu.memory_space<vmem>>)
      tpu.yield
    }) : () -> ()
    "tpu.region"() ({
      %run_scoped3A = tpu.sem_alloc : memref<!tpu.dma_semaphore, #tpu.memory_space<semaphore_mem>>
      tpu.enqueue_dma source(%arg7 : memref<64x16xf32, #tpu.memory_space<hbm>>) target(%arg19 : memref<64x16xf32, #tpu.memory_space<vmem>>) target_semaphore(%run_scoped3A : memref<!tpu.dma_semaphore, #tpu.memory_space<semaphore_mem>>)
      tpu.wait_dma2 semaphore(%run_scoped3A : memref<!tpu.dma_semaphore, #tpu.memory_space<semaphore_mem>>) src(%arg7 : memref<64x16xf32, #tpu.memory_space<hbm>>) dst(%arg19 : memref<64x16xf32, #tpu.memory_space<vmem>>)
      tpu.yield
    }) : () -> ()
    %barrier3A = arith.constant 0 : index
    tpu.barrier barrier_id(%barrier3A)
    %get3A = arith.constant 0 : i32
    %get3A_3 = arith.index_cast %get3A : i32 to index
    %get3A_4 = arith.constant 0 : index
    %get3A_5 = tpu.vector_load %arg10[%get3A_3, %get3A_4] {strides = array<i32>} : memref<157x64xi16, #tpu.memory_space<vmem>>, vector<32xi16>,
    %bitcast3A = vector.bitcast %get3A_5 : vector<32xi16> to vector<16xi32>
    %and3A = arith.constant 65535 : i32
    %and3A_6 = vector.broadcast %and3A : i32 to vector<16xi32>
    %and3A_7 = arith.andi %bitcast3A, %and3A_6 : vector<16xi32>
    %swap3A = arith.constant 0 : index
    %swap3A_8 = tpu.vector_load %arg15[%swap3A] {strides = array<i32>} : memref<64xi32, #tpu.memory_space<vmem>>, vector<16xi32>,
    tpu.vector_store %arg15[%swap3A], %and3A_7 {strides = array<i32>} : memref<64xi32, #tpu.memory_space<vmem>>, vector<16xi32>,
    %shift_right_logical3A = arith.constant 16 : i32
    %shift_right_logical3A_9 = vector.broadcast %shift_right_logical3A : i32 to vector<16xi32>
    %shift_right_logical3A_10 = arith.shrui %bitcast3A, %shift_right_logical3A_9 : vector<16xi32>
    %swap3A_11 = arith.constant 16 : index
    %swap3A_12 = tpu.vector_load %arg15[%swap3A_11] {strides = array<i32>} : memref<64xi32, #tpu.memory_space<vmem>>, vector<16xi32>,
    tpu.vector_store %arg15[%swap3A_11], %shift_right_logical3A_10 {strides = array<i32>} : memref<64xi32, #tpu.memory_space<vmem>>, vector<16xi32>,
    %get3A_13 = arith.constant 0 : i32
    %get3A_14 = arith.index_cast %get3A_13 : i32 to index
    %get3A_15 = arith.constant 32 : index
    %get3A_16 = tpu.vector_load %arg10[%get3A_14, %get3A_15] {strides = array<i32>} : memref<157x64xi16, #tpu.memory_space<vmem>>, vector<32xi16>,
    %bitcast3A_17 = vector.bitcast %get3A_16 : vector<32xi16> to vector<16xi32>
    %and3A_18 = arith.constant 65535 : i32
    %and3A_19 = vector.broadcast %and3A_18 : i32 to vector<16xi32>
    %and3A_20 = arith.andi %bitcast3A_17, %and3A_19 : vector<16xi32>
    %swap3A_21 = arith.constant 32 : index
    %swap3A_22 = tpu.vector_load %arg15[%swap3A_21] {strides = array<i32>} : memref<64xi32, #tpu.memory_space<vmem>>, vector<16xi32>,
    tpu.vector_store %arg15[%swap3A_21], %and3A_20 {strides = array<i32>} : memref<64xi32, #tpu.memory_space<vmem>>, vector<16xi32>,
    %shift_right_logical3A_23 = arith.constant 16 : i32
    %shift_right_logical3A_24 = vector.broadcast %shift_right_logical3A_23 : i32 to vector<16xi32>
    %shift_right_logical3A_25 = arith.shrui %bitcast3A_17, %shift_right_logical3A_24 : vector<16xi32>
    %swap3A_26 = arith.constant 48 : index
    %swap3A_27 = tpu.vector_load %arg15[%swap3A_26] {strides = array<i32>} : memref<64xi32, #tpu.memory_space<vmem>>, vector<16xi32>,
    tpu.vector_store %arg15[%swap3A_26], %shift_right_logical3A_25 {strides = array<i32>} : memref<64xi32, #tpu.memory_space<vmem>>, vector<16xi32>,
    %dma_start3A = arith.constant 0 : i32
    %dma_start3A_28 = arith.constant 0 : i32
    %dma_start3A_29 = tpu.memref_slice %arg2[%dma_start3A, %dma_start3A_28] : memref<10000x128xf32, #tpu.memory_space<hbm>> -> memref<10000x128xf32, #tpu.memory_space<hbm>>
    tpu.enqueue_indirect_dma source(%dma_start3A_29 : memref<10000x128xf32, #tpu.memory_space<hbm>>) target(%arg12 : memref<64x128xf32, #tpu.memory_space<vmem>>) offsets(%arg15 : memref<64xi32, #tpu.memory_space<vmem>>) semaphore(%arg22 : memref<!tpu.dma_semaphore, #tpu.memory_space<semaphore_mem>>)
    %get3A_30 = arith.constant 1 : i32
    %get3A_31 = arith.index_cast %get3A_30 : i32 to index
    %get3A_32 = arith.constant 0 : index
    %get3A_33 = tpu.vector_load %arg10[%get3A_31, %get3A_32] {strides = array<i32>} : memref<157x64xi16, #tpu.memory_space<vmem>>, vector<32xi16>,
    %bitcast3A_34 = vector.bitcast %get3A_33 : vector<32xi16> to vector<16xi32>
    %and3A_35 = arith.constant 65535 : i32
    %and3A_36 = vector.broadcast %and3A_35 : i32 to vector<16xi32>
    %and3A_37 = arith.andi %bitcast3A_34, %and3A_36 : vector<16xi32>
    %swap3A_38 = arith.constant 0 : index
    %swap3A_39 = tpu.vector_load %arg16[%swap3A_38] {strides = array<i32>} : memref<64xi32, #tpu.memory_space<vmem>>, vector<16xi32>,
    tpu.vector_store %arg16[%swap3A_38], %and3A_37 {strides = array<i32>} : memref<64xi32, #tpu.memory_space<vmem>>, vector<16xi32>,
    %shift_right_logical3A_40 = arith.constant 16 : i32
    %shift_right_logical3A_41 = vector.broadcast %shift_right_logical3A_40 : i32 to vector<16xi32>
    %shift_right_logical3A_42 = arith.shrui %bitcast3A_34, %shift_right_logical3A_41 : vector<16xi32>
    %swap3A_43 = arith.constant 16 : index
    %swap3A_44 = tpu.vector_load %arg16[%swap3A_43] {strides = array<i32>} : memref<64xi32, #tpu.memory_space<vmem>>, vector<16xi32>,
    tpu.vector_store %arg16[%swap3A_43], %shift_right_logical3A_42 {strides = array<i32>} : memref<64xi32, #tpu.memory_space<vmem>>, vector<16xi32>,
    %get3A_45 = arith.constant 1 : i32
    %get3A_46 = arith.index_cast %get3A_45 : i32 to index
    %get3A_47 = arith.constant 32 : index
    %get3A_48 = tpu.vector_load %arg10[%get3A_46, %get3A_47] {strides = array<i32>} : memref<157x64xi16, #tpu.memory_space<vmem>>, vector<32xi16>,
    %bitcast3A_49 = vector.bitcast %get3A_48 : vector<32xi16> to vector<16xi32>
    %and3A_50 = arith.constant 65535 : i32
    %and3A_51 = vector.broadcast %and3A_50 : i32 to vector<16xi32>
    %and3A_52 = arith.andi %bitcast3A_49, %and3A_51 : vector<16xi32>
    %swap3A_53 = arith.constant 32 : index
    %swap3A_54 = tpu.vector_load %arg16[%swap3A_53] {strides = array<i32>} : memref<64xi32, #tpu.memory_space<vmem>>, vector<16xi32>,
    tpu.vector_store %arg16[%swap3A_53], %and3A_52 {strides = array<i32>} : memref<64xi32, #tpu.memory_space<vmem>>, vector<16xi32>,
    %shift_right_logical3A_55 = arith.constant 16 : i32
    %shift_right_logical3A_56 = vector.broadcast %shift_right_logical3A_55 : i32 to vector<16xi32>
    %shift_right_logical3A_57 = arith.shrui %bitcast3A_49, %shift_right_logical3A_56 : vector<16xi32>
    %swap3A_58 = arith.constant 48 : index
    %swap3A_59 = tpu.vector_load %arg16[%swap3A_58] {strides = array<i32>} : memref<64xi32, #tpu.memory_space<vmem>>, vector<16xi32>,
    tpu.vector_store %arg16[%swap3A_58], %shift_right_logical3A_57 {strides = array<i32>} : memref<64xi32, #tpu.memory_space<vmem>>, vector<16xi32>,
    %dma_start3A_60 = arith.constant 0 : i32
    %dma_start3A_61 = arith.constant 0 : i32
    %dma_start3A_62 = tpu.memref_slice %arg2[%dma_start3A_60, %dma_start3A_61] : memref<10000x128xf32, #tpu.memory_space<hbm>> -> memref<10000x128xf32, #tpu.memory_space<hbm>>
    tpu.enqueue_indirect_dma source(%dma_start3A_62 : memref<10000x128xf32, #tpu.memory_space<hbm>>) target(%arg13 : memref<64x128xf32, #tpu.memory_space<vmem>>) offsets(%arg16 : memref<64xi32, #tpu.memory_space<vmem>>) semaphore(%arg23 : memref<!tpu.dma_semaphore, #tpu.memory_space<semaphore_mem>>)
    %scan3A = arith.constant 0 : i32
    %scan3A_63 = arith.constant 51 : i32
    %scan3A_64 = arith.addi %scan3A, %scan3A_63 : i32
    %scan3A_65 = arith.constant 1 : i32
    scf.for %scan3A_265 = %scan3A to %scan3A_64 step %scan3A_65  : i32 {
      %mul3A_266 = arith.constant 3 : i32
      %mul3A_267 = arith.muli %scan3A_265, %mul3A_266 : i32
      %add3A_268 = arith.constant 0 : i32
      %add3A_269 = arith.addi %add3A_268, %mul3A_267 : i32
      %add3A_270 = arith.constant 2 : i32
      %add3A_271 = arith.addi %add3A_269, %add3A_270 : i32
      %get3A_272 = arith.index_cast %add3A_271 : i32 to index
      %get3A_273 = arith.constant 0 : index
      %get3A_274 = tpu.vector_load %arg10[%get3A_272, %get3A_273] {strides = array<i32>} : memref<157x64xi16, #tpu.memory_space<vmem>>, vector<32xi16>,
      %bitcast3A_275 = vector.bitcast %get3A_274 : vector<32xi16> to vector<16xi32>
      %and3A_276 = arith.constant 65535 : i32
      %and3A_277 = vector.broadcast %and3A_276 : i32 to vector<16xi32>
      %and3A_278 = arith.andi %bitcast3A_275, %and3A_277 : vector<16xi32>
      %swap3A_279 = arith.constant 0 : index
      %swap3A_280 = tpu.vector_load %arg17[%swap3A_279] {strides = array<i32>} : memref<64xi32, #tpu.memory_space<vmem>>, vector<16xi32>,
      tpu.vector_store %arg17[%swap3A_279], %and3A_278 {strides = array<i32>} : memref<64xi32, #tpu.memory_space<vmem>>, vector<16xi32>,
      %shift_right_logical3A_281 = arith.constant 16 : i32
      %shift_right_logical3A_282 = vector.broadcast %shift_right_logical3A_281 : i32 to vector<16xi32>
      %shift_right_logical3A_283 = arith.shrui %bitcast3A_275, %shift_right_logical3A_282 : vector<16xi32>
      %swap3A_284 = arith.constant 16 : index
      %swap3A_285 = tpu.vector_load %arg17[%swap3A_284] {strides = array<i32>} : memref<64xi32, #tpu.memory_space<vmem>>, vector<16xi32>,
      tpu.vector_store %arg17[%swap3A_284], %shift_right_logical3A_283 {strides = array<i32>} : memref<64xi32, #tpu.memory_space<vmem>>, vector<16xi32>,
      %get3A_286 = arith.index_cast %add3A_271 : i32 to index
      %get3A_287 = arith.constant 32 : index
      %get3A_288 = tpu.vector_load %arg10[%get3A_286, %get3A_287] {strides = array<i32>} : memref<157x64xi16, #tpu.memory_space<vmem>>, vector<32xi16>,
      %bitcast3A_289 = vector.bitcast %get3A_288 : vector<32xi16> to vector<16xi32>
      %and3A_290 = arith.constant 65535 : i32
      %and3A_291 = vector.broadcast %and3A_290 : i32 to vector<16xi32>
      %and3A_292 = arith.andi %bitcast3A_289, %and3A_291 : vector<16xi32>
      %swap3A_293 = arith.constant 32 : index
      %swap3A_294 = tpu.vector_load %arg17[%swap3A_293] {strides = array<i32>} : memref<64xi32, #tpu.memory_space<vmem>>, vector<16xi32>,
      tpu.vector_store %arg17[%swap3A_293], %and3A_292 {strides = array<i32>} : memref<64xi32, #tpu.memory_space<vmem>>, vector<16xi32>,
      %shift_right_logical3A_295 = arith.constant 16 : i32
      %shift_right_logical3A_296 = vector.broadcast %shift_right_logical3A_295 : i32 to vector<16xi32>
      %shift_right_logical3A_297 = arith.shrui %bitcast3A_289, %shift_right_logical3A_296 : vector<16xi32>
      %swap3A_298 = arith.constant 48 : index
      %swap3A_299 = tpu.vector_load %arg17[%swap3A_298] {strides = array<i32>} : memref<64xi32, #tpu.memory_space<vmem>>, vector<16xi32>,
      tpu.vector_store %arg17[%swap3A_298], %shift_right_logical3A_297 {strides = array<i32>} : memref<64xi32, #tpu.memory_space<vmem>>, vector<16xi32>,
      %dma_start3A_300 = arith.constant 0 : i32
      %dma_start3A_301 = arith.constant 0 : i32
      %dma_start3A_302 = tpu.memref_slice %arg2[%dma_start3A_300, %dma_start3A_301] : memref<10000x128xf32, #tpu.memory_space<hbm>> -> memref<10000x128xf32, #tpu.memory_space<hbm>>
      tpu.enqueue_indirect_dma source(%dma_start3A_302 : memref<10000x128xf32, #tpu.memory_space<hbm>>) target(%arg14 : memref<64x128xf32, #tpu.memory_space<vmem>>) offsets(%arg17 : memref<64xi32, #tpu.memory_space<vmem>>) semaphore(%arg24 : memref<!tpu.dma_semaphore, #tpu.memory_space<semaphore_mem>>)
      %dma_wait3A_303 = arith.constant 0 : i32
      %dma_wait3A_304 = arith.constant 0 : i32
      %dma_wait3A_305 = tpu.memref_slice %arg2[%dma_wait3A_303, %dma_wait3A_304] : memref<10000x128xf32, #tpu.memory_space<hbm>> -> memref<10000x128xf32, #tpu.memory_space<hbm>>
      tpu.wait_indirect_dma semaphore(%arg22 : memref<!tpu.dma_semaphore, #tpu.memory_space<semaphore_mem>>) src(%dma_wait3A_305 : memref<10000x128xf32, #tpu.memory_space<hbm>>) dst(%arg12 : memref<64x128xf32, #tpu.memory_space<vmem>>)
      %get3A_306 = arith.index_cast %add3A_269 : i32 to index
      %get3A_307 = arith.constant 0 : index
      %get3A_308 = tpu.vector_load %arg11[%get3A_306, %get3A_307] {strides = array<i32>} : memref<157x64xi16, #tpu.memory_space<vmem>>, vector<32xi16>,
      %bitcast3A_309 = vector.bitcast %get3A_308 : vector<32xi16> to vector<16xi32>
      %and3A_310 = arith.constant 65535 : i32
      %and3A_311 = vector.broadcast %and3A_310 : i32 to vector<16xi32>
      %and3A_312 = arith.andi %bitcast3A_309, %and3A_311 : vector<16xi32>
      %swap3A_313 = arith.constant 0 : index
      %swap3A_314 = tpu.vector_load %arg18[%swap3A_313] {strides = array<i32>} : memref<64xi32, #tpu.memory_space<vmem>>, vector<16xi32>,
      tpu.vector_store %arg18[%swap3A_313], %and3A_312 {strides = array<i32>} : memref<64xi32, #tpu.memory_space<vmem>>, vector<16xi32>,
      %shift_right_logical3A_315 = arith.constant 16 : i32
      %shift_right_logical3A_316 = vector.broadcast %shift_right_logical3A_315 : i32 to vector<16xi32>
      %shift_right_logical3A_317 = arith.shrui %bitcast3A_309, %shift_right_logical3A_316 : vector<16xi32>
      %swap3A_318 = arith.constant 16 : index
      %swap3A_319 = tpu.vector_load %arg18[%swap3A_318] {strides = array<i32>} : memref<64xi32, #tpu.memory_space<vmem>>, vector<16xi32>,
      tpu.vector_store %arg18[%swap3A_318], %shift_right_logical3A_317 {strides = array<i32>} : memref<64xi32, #tpu.memory_space<vmem>>, vector<16xi32>,
      %get3A_320 = arith.index_cast %add3A_269 : i32 to index
      %get3A_321 = arith.constant 32 : index
      %get3A_322 = tpu.vector_load %arg11[%get3A_320, %get3A_321] {strides = array<i32>} : memref<157x64xi16, #tpu.memory_space<vmem>>, vector<32xi16>,
      %bitcast3A_323 = vector.bitcast %get3A_322 : vector<32xi16> to vector<16xi32>
      %and3A_324 = arith.constant 65535 : i32
      %and3A_325 = vector.broadcast %and3A_324 : i32 to vector<16xi32>
      %and3A_326 = arith.andi %bitcast3A_323, %and3A_325 : vector<16xi32>
      %swap3A_327 = arith.constant 32 : index
      %swap3A_328 = tpu.vector_load %arg18[%swap3A_327] {strides = array<i32>} : memref<64xi32, #tpu.memory_space<vmem>>, vector<16xi32>,
      tpu.vector_store %arg18[%swap3A_327], %and3A_326 {strides = array<i32>} : memref<64xi32, #tpu.memory_space<vmem>>, vector<16xi32>,
      %shift_right_logical3A_329 = arith.constant 16 : i32
      %shift_right_logical3A_330 = vector.broadcast %shift_right_logical3A_329 : i32 to vector<16xi32>
      %shift_right_logical3A_331 = arith.shrui %bitcast3A_323, %shift_right_logical3A_330 : vector<16xi32>
      %swap3A_332 = arith.constant 48 : index
      %swap3A_333 = tpu.vector_load %arg18[%swap3A_332] {strides = array<i32>} : memref<64xi32, #tpu.memory_space<vmem>>, vector<16xi32>,
      tpu.vector_store %arg18[%swap3A_332], %shift_right_logical3A_331 {strides = array<i32>} : memref<64xi32, #tpu.memory_space<vmem>>, vector<16xi32>,
      "tpu.region"() ({
        %run_scoped3A = tpu.sem_alloc : memref<!tpu.dma_semaphore, #tpu.memory_space<semaphore_mem>>
        %dma_start3A_466 = arith.constant 0 : i32
        %dma_start3A_467 = arith.constant 0 : i32
        %dma_start3A_468 = tpu.memref_slice %arg20[%dma_start3A_466, %dma_start3A_467] : memref<10112x128xf32, #tpu.memory_space<vmem_shared>> -> memref<10112x128xf32, #tpu.memory_space<vmem_shared>>
        tpu.enqueue_indirect_dma source(%arg12 : memref<64x128xf32, #tpu.memory_space<vmem>>) target(%dma_start3A_468 : memref<10112x128xf32, #tpu.memory_space<vmem_shared>>) offsets(%arg18 : memref<64xi32, #tpu.memory_space<vmem>>) semaphore(%run_scoped3A : memref<!tpu.dma_semaphore, #tpu.memory_space<semaphore_mem>>) {add = true}
        %dma_wait3A_469 = arith.constant 0 : i32
        %dma_wait3A_470 = arith.constant 0 : i32
        %dma_wait3A_471 = tpu.memref_slice %arg20[%dma_wait3A_469, %dma_wait3A_470] : memref<10112x128xf32, #tpu.memory_space<vmem_shared>> -> memref<10112x128xf32, #tpu.memory_space<vmem_shared>>
        tpu.wait_indirect_dma semaphore(%run_scoped3A : memref<!tpu.dma_semaphore, #tpu.memory_space<semaphore_mem>>) src(%arg12 : memref<64x128xf32, #tpu.memory_space<vmem>>) dst(%dma_wait3A_471 : memref<10112x128xf32, #tpu.memory_space<vmem_shared>>)
        tpu.yield
      }) : () -> ()
      "tpu.region"() ({
        %run_scoped3A = tpu.sem_alloc : memref<!tpu.dma_semaphore, #tpu.memory_space<semaphore_mem>>
        %dma_start3A_466 = arith.constant 0 : i32
        %dma_start3A_467 = arith.constant 0 : i32
        %dma_start3A_468 = tpu.memref_slice %arg21[%dma_start3A_466, %dma_start3A_467] : memref<10112x16xf32, #tpu.memory_space<vmem_shared>> -> memref<10112x16xf32, #tpu.memory_space<vmem_shared>>
        tpu.enqueue_indirect_dma source(%arg19 : memref<64x16xf32, #tpu.memory_space<vmem>>) target(%dma_start3A_468 : memref<10112x16xf32, #tpu.memory_space<vmem_shared>>) offsets(%arg18 : memref<64xi32, #tpu.memory_space<vmem>>) semaphore(%run_scoped3A : memref<!tpu.dma_semaphore, #tpu.memory_space<semaphore_mem>>) {add = true}
        %dma_wait3A_469 = arith.constant 0 : i32
        %dma_wait3A_470 = arith.constant 0 : i32
        %dma_wait3A_471 = tpu.memref_slice %arg21[%dma_wait3A_469, %dma_wait3A_470] : memref<10112x16xf32, #tpu.memory_space<vmem_shared>> -> memref<10112x16xf32, #tpu.memory_space<vmem_shared>>
        tpu.wait_indirect_dma semaphore(%run_scoped3A : memref<!tpu.dma_semaphore, #tpu.memory_space<semaphore_mem>>) src(%arg19 : memref<64x16xf32, #tpu.memory_space<vmem>>) dst(%dma_wait3A_471 : memref<10112x16xf32, #tpu.memory_space<vmem_shared>>)
        tpu.yield
      }) : () -> ()
      %add3A_334 = arith.constant 3 : i32
      %add3A_335 = arith.addi %add3A_269, %add3A_334 : i32
      %get3A_336 = arith.index_cast %add3A_335 : i32 to index
      %get3A_337 = arith.constant 0 : index
      %get3A_338 = tpu.vector_load %arg10[%get3A_336, %get3A_337] {strides = array<i32>} : memref<157x64xi16, #tpu.memory_space<vmem>>, vector<32xi16>,
      %bitcast3A_339 = vector.bitcast %get3A_338 : vector<32xi16> to vector<16xi32>
      %and3A_340 = arith.constant 65535 : i32
      %and3A_341 = vector.broadcast %and3A_340 : i32 to vector<16xi32>
      %and3A_342 = arith.andi %bitcast3A_339, %and3A_341 : vector<16xi32>
      %swap3A_343 = arith.constant 0 : index
      %swap3A_344 = tpu.vector_load %arg15[%swap3A_343] {strides = array<i32>} : memref<64xi32, #tpu.memory_space<vmem>>, vector<16xi32>,
      tpu.vector_store %arg15[%swap3A_343], %and3A_342 {strides = array<i32>} : memref<64xi32, #tpu.memory_space<vmem>>, vector<16xi32>,
      %shift_right_logical3A_345 = arith.constant 16 : i32
      %shift_right_logical3A_346 = vector.broadcast %shift_right_logical3A_345 : i32 to vector<16xi32>
      %shift_right_logical3A_347 = arith.shrui %bitcast3A_339, %shift_right_logical3A_346 : vector<16xi32>
      %swap3A_348 = arith.constant 16 : index
      %swap3A_349 = tpu.vector_load %arg15[%swap3A_348] {strides = array<i32>} : memref<64xi32, #tpu.memory_space<vmem>>, vector<16xi32>,
      tpu.vector_store %arg15[%swap3A_348], %shift_right_logical3A_347 {strides = array<i32>} : memref<64xi32, #tpu.memory_space<vmem>>, vector<16xi32>,
      %get3A_350 = arith.index_cast %add3A_335 : i32 to index
      %get3A_351 = arith.constant 32 : index
      %get3A_352 = tpu.vector_load %arg10[%get3A_350, %get3A_351] {strides = array<i32>} : memref<157x64xi16, #tpu.memory_space<vmem>>, vector<32xi16>,
      %bitcast3A_353 = vector.bitcast %get3A_352 : vector<32xi16> to vector<16xi32>
      %and3A_354 = arith.constant 65535 : i32
      %and3A_355 = vector.broadcast %and3A_354 : i32 to vector<16xi32>
      %and3A_356 = arith.andi %bitcast3A_353, %and3A_355 : vector<16xi32>
      %swap3A_357 = arith.constant 32 : index
      %swap3A_358 = tpu.vector_load %arg15[%swap3A_357] {strides = array<i32>} : memref<64xi32, #tpu.memory_space<vmem>>, vector<16xi32>,
      tpu.vector_store %arg15[%swap3A_357], %and3A_356 {strides = array<i32>} : memref<64xi32, #tpu.memory_space<vmem>>, vector<16xi32>,
      %shift_right_logical3A_359 = arith.constant 16 : i32
      %shift_right_logical3A_360 = vector.broadcast %shift_right_logical3A_359 : i32 to vector<16xi32>
      %shift_right_logical3A_361 = arith.shrui %bitcast3A_353, %shift_right_logical3A_360 : vector<16xi32>
      %swap3A_362 = arith.constant 48 : index
      %swap3A_363 = tpu.vector_load %arg15[%swap3A_362] {strides = array<i32>} : memref<64xi32, #tpu.memory_space<vmem>>, vector<16xi32>,
      tpu.vector_store %arg15[%swap3A_362], %shift_right_logical3A_361 {strides = array<i32>} : memref<64xi32, #tpu.memory_space<vmem>>, vector<16xi32>,
      %dma_start3A_364 = arith.constant 0 : i32
      %dma_start3A_365 = arith.constant 0 : i32
      %dma_start3A_366 = tpu.memref_slice %arg2[%dma_start3A_364, %dma_start3A_365] : memref<10000x128xf32, #tpu.memory_space<hbm>> -> memref<10000x128xf32, #tpu.memory_space<hbm>>
      tpu.enqueue_indirect_dma source(%dma_start3A_366 : memref<10000x128xf32, #tpu.memory_space<hbm>>) target(%arg12 : memref<64x128xf32, #tpu.memory_space<vmem>>) offsets(%arg15 : memref<64xi32, #tpu.memory_space<vmem>>) semaphore(%arg22 : memref<!tpu.dma_semaphore, #tpu.memory_space<semaphore_mem>>)
      %add3A_367 = arith.constant 1 : i32
      %add3A_368 = arith.addi %add3A_269, %add3A_367 : i32
      %dma_wait3A_369 = arith.constant 0 : i32
      %dma_wait3A_370 = arith.constant 0 : i32
      %dma_wait3A_371 = tpu.memref_slice %arg2[%dma_wait3A_369, %dma_wait3A_370] : memref<10000x128xf32, #tpu.memory_space<hbm>> -> memref<10000x128xf32, #tpu.memory_space<hbm>>
      tpu.wait_indirect_dma semaphore(%arg23 : memref<!tpu.dma_semaphore, #tpu.memory_space<semaphore_mem>>) src(%dma_wait3A_371 : memref<10000x128xf32, #tpu.memory_space<hbm>>) dst(%arg13 : memref<64x128xf32, #tpu.memory_space<vmem>>)
      %get3A_372 = arith.index_cast %add3A_368 : i32 to index
      %get3A_373 = arith.constant 0 : index
      %get3A_374 = tpu.vector_load %arg11[%get3A_372, %get3A_373] {strides = array<i32>} : memref<157x64xi16, #tpu.memory_space<vmem>>, vector<32xi16>,
      %bitcast3A_375 = vector.bitcast %get3A_374 : vector<32xi16> to vector<16xi32>
      %and3A_376 = arith.constant 65535 : i32
      %and3A_377 = vector.broadcast %and3A_376 : i32 to vector<16xi32>
      %and3A_378 = arith.andi %bitcast3A_375, %and3A_377 : vector<16xi32>
      %swap3A_379 = arith.constant 0 : index
      %swap3A_380 = tpu.vector_load %arg18[%swap3A_379] {strides = array<i32>} : memref<64xi32, #tpu.memory_space<vmem>>, vector<16xi32>,
      tpu.vector_store %arg18[%swap3A_379], %and3A_378 {strides = array<i32>} : memref<64xi32, #tpu.memory_space<vmem>>, vector<16xi32>,
      %shift_right_logical3A_381 = arith.constant 16 : i32
      %shift_right_logical3A_382 = vector.broadcast %shift_right_logical3A_381 : i32 to vector<16xi32>
      %shift_right_logical3A_383 = arith.shrui %bitcast3A_375, %shift_right_logical3A_382 : vector<16xi32>
      %swap3A_384 = arith.constant 16 : index
      %swap3A_385 = tpu.vector_load %arg18[%swap3A_384] {strides = array<i32>} : memref<64xi32, #tpu.memory_space<vmem>>, vector<16xi32>,
      tpu.vector_store %arg18[%swap3A_384], %shift_right_logical3A_383 {strides = array<i32>} : memref<64xi32, #tpu.memory_space<vmem>>, vector<16xi32>,
      %get3A_386 = arith.index_cast %add3A_368 : i32 to index
      %get3A_387 = arith.constant 32 : index
      %get3A_388 = tpu.vector_load %arg11[%get3A_386, %get3A_387] {strides = array<i32>} : memref<157x64xi16, #tpu.memory_space<vmem>>, vector<32xi16>,
      %bitcast3A_389 = vector.bitcast %get3A_388 : vector<32xi16> to vector<16xi32>
      %and3A_390 = arith.constant 65535 : i32
      %and3A_391 = vector.broadcast %and3A_390 : i32 to vector<16xi32>
      %and3A_392 = arith.andi %bitcast3A_389, %and3A_391 : vector<16xi32>
      %swap3A_393 = arith.constant 32 : index
      %swap3A_394 = tpu.vector_load %arg18[%swap3A_393] {strides = array<i32>} : memref<64xi32, #tpu.memory_space<vmem>>, vector<16xi32>,
      tpu.vector_store %arg18[%swap3A_393], %and3A_392 {strides = array<i32>} : memref<64xi32, #tpu.memory_space<vmem>>, vector<16xi32>,
      %shift_right_logical3A_395 = arith.constant 16 : i32
      %shift_right_logical3A_396 = vector.broadcast %shift_right_logical3A_395 : i32 to vector<16xi32>
      %shift_right_logical3A_397 = arith.shrui %bitcast3A_389, %shift_right_logical3A_396 : vector<16xi32>
      %swap3A_398 = arith.constant 48 : index
      %swap3A_399 = tpu.vector_load %arg18[%swap3A_398] {strides = array<i32>} : memref<64xi32, #tpu.memory_space<vmem>>, vector<16xi32>,
      tpu.vector_store %arg18[%swap3A_398], %shift_right_logical3A_397 {strides = array<i32>} : memref<64xi32, #tpu.memory_space<vmem>>, vector<16xi32>,
      "tpu.region"() ({
        %run_scoped3A = tpu.sem_alloc : memref<!tpu.dma_semaphore, #tpu.memory_space<semaphore_mem>>
        %dma_start3A_466 = arith.constant 0 : i32
        %dma_start3A_467 = arith.constant 0 : i32
        %dma_start3A_468 = tpu.memref_slice %arg20[%dma_start3A_466, %dma_start3A_467] : memref<10112x128xf32, #tpu.memory_space<vmem_shared>> -> memref<10112x128xf32, #tpu.memory_space<vmem_shared>>
        tpu.enqueue_indirect_dma source(%arg13 : memref<64x128xf32, #tpu.memory_space<vmem>>) target(%dma_start3A_468 : memref<10112x128xf32, #tpu.memory_space<vmem_shared>>) offsets(%arg18 : memref<64xi32, #tpu.memory_space<vmem>>) semaphore(%run_scoped3A : memref<!tpu.dma_semaphore, #tpu.memory_space<semaphore_mem>>) {add = true}
        %dma_wait3A_469 = arith.constant 0 : i32
        %dma_wait3A_470 = arith.constant 0 : i32
        %dma_wait3A_471 = tpu.memref_slice %arg20[%dma_wait3A_469, %dma_wait3A_470] : memref<10112x128xf32, #tpu.memory_space<vmem_shared>> -> memref<10112x128xf32, #tpu.memory_space<vmem_shared>>
        tpu.wait_indirect_dma semaphore(%run_scoped3A : memref<!tpu.dma_semaphore, #tpu.memory_space<semaphore_mem>>) src(%arg13 : memref<64x128xf32, #tpu.memory_space<vmem>>) dst(%dma_wait3A_471 : memref<10112x128xf32, #tpu.memory_space<vmem_shared>>)
        tpu.yield
      }) : () -> ()
      "tpu.region"() ({
        %run_scoped3A = tpu.sem_alloc : memref<!tpu.dma_semaphore, #tpu.memory_space<semaphore_mem>>
        %dma_start3A_466 = arith.constant 0 : i32
        %dma_start3A_467 = arith.constant 0 : i32
        %dma_start3A_468 = tpu.memref_slice %arg21[%dma_start3A_466, %dma_start3A_467] : memref<10112x16xf32, #tpu.memory_space<vmem_shared>> -> memref<10112x16xf32, #tpu.memory_space<vmem_shared>>
        tpu.enqueue_indirect_dma source(%arg19 : memref<64x16xf32, #tpu.memory_space<vmem>>) target(%dma_start3A_468 : memref<10112x16xf32, #tpu.memory_space<vmem_shared>>) offsets(%arg18 : memref<64xi32, #tpu.memory_space<vmem>>) semaphore(%run_scoped3A : memref<!tpu.dma_semaphore, #tpu.memory_space<semaphore_mem>>) {add = true}
        %dma_wait3A_469 = arith.constant 0 : i32
        %dma_wait3A_470 = arith.constant 0 : i32
        %dma_wait3A_471 = tpu.memref_slice %arg21[%dma_wait3A_469, %dma_wait3A_470] : memref<10112x16xf32, #tpu.memory_space<vmem_shared>> -> memref<10112x16xf32, #tpu.memory_space<vmem_shared>>
        tpu.wait_indirect_dma semaphore(%run_scoped3A : memref<!tpu.dma_semaphore, #tpu.memory_space<semaphore_mem>>) src(%arg19 : memref<64x16xf32, #tpu.memory_space<vmem>>) dst(%dma_wait3A_471 : memref<10112x16xf32, #tpu.memory_space<vmem_shared>>)
        tpu.yield
      }) : () -> ()
      %add3A_400 = arith.constant 4 : i32
      %add3A_401 = arith.addi %add3A_269, %add3A_400 : i32
      %get3A_402 = arith.index_cast %add3A_401 : i32 to index
      %get3A_403 = arith.constant 0 : index
      %get3A_404 = tpu.vector_load %arg10[%get3A_402, %get3A_403] {strides = array<i32>} : memref<157x64xi16, #tpu.memory_space<vmem>>, vector<32xi16>,
      %bitcast3A_405 = vector.bitcast %get3A_404 : vector<32xi16> to vector<16xi32>
      %and3A_406 = arith.constant 65535 : i32
      %and3A_407 = vector.broadcast %and3A_406 : i32 to vector<16xi32>
      %and3A_408 = arith.andi %bitcast3A_405, %and3A_407 : vector<16xi32>
      %swap3A_409 = arith.constant 0 : index
      %swap3A_410 = tpu.vector_load %arg16[%swap3A_409] {strides = array<i32>} : memref<64xi32, #tpu.memory_space<vmem>>, vector<16xi32>,
      tpu.vector_store %arg16[%swap3A_409], %and3A_408 {strides = array<i32>} : memref<64xi32, #tpu.memory_space<vmem>>, vector<16xi32>,
      %shift_right_logical3A_411 = arith.constant 16 : i32
      %shift_right_logical3A_412 = vector.broadcast %shift_right_logical3A_411 : i32 to vector<16xi32>
      %shift_right_logical3A_413 = arith.shrui %bitcast3A_405, %shift_right_logical3A_412 : vector<16xi32>
      %swap3A_414 = arith.constant 16 : index
      %swap3A_415 = tpu.vector_load %arg16[%swap3A_414] {strides = array<i32>} : memref<64xi32, #tpu.memory_space<vmem>>, vector<16xi32>,
      tpu.vector_store %arg16[%swap3A_414], %shift_right_logical3A_413 {strides = array<i32>} : memref<64xi32, #tpu.memory_space<vmem>>, vector<16xi32>,
      %get3A_416 = arith.index_cast %add3A_401 : i32 to index
      %get3A_417 = arith.constant 32 : index
      %get3A_418 = tpu.vector_load %arg10[%get3A_416, %get3A_417] {strides = array<i32>} : memref<157x64xi16, #tpu.memory_space<vmem>>, vector<32xi16>,
      %bitcast3A_419 = vector.bitcast %get3A_418 : vector<32xi16> to vector<16xi32>
      %and3A_420 = arith.constant 65535 : i32
      %and3A_421 = vector.broadcast %and3A_420 : i32 to vector<16xi32>
      %and3A_422 = arith.andi %bitcast3A_419, %and3A_421 : vector<16xi32>
      %swap3A_423 = arith.constant 32 : index
      %swap3A_424 = tpu.vector_load %arg16[%swap3A_423] {strides = array<i32>} : memref<64xi32, #tpu.memory_space<vmem>>, vector<16xi32>,
      tpu.vector_store %arg16[%swap3A_423], %and3A_422 {strides = array<i32>} : memref<64xi32, #tpu.memory_space<vmem>>, vector<16xi32>,
      %shift_right_logical3A_425 = arith.constant 16 : i32
      %shift_right_logical3A_426 = vector.broadcast %shift_right_logical3A_425 : i32 to vector<16xi32>
      %shift_right_logical3A_427 = arith.shrui %bitcast3A_419, %shift_right_logical3A_426 : vector<16xi32>
      %swap3A_428 = arith.constant 48 : index
      %swap3A_429 = tpu.vector_load %arg16[%swap3A_428] {strides = array<i32>} : memref<64xi32, #tpu.memory_space<vmem>>, vector<16xi32>,
      tpu.vector_store %arg16[%swap3A_428], %shift_right_logical3A_427 {strides = array<i32>} : memref<64xi32, #tpu.memory_space<vmem>>, vector<16xi32>,
      %dma_start3A_430 = arith.constant 0 : i32
      %dma_start3A_431 = arith.constant 0 : i32
      %dma_start3A_432 = tpu.memref_slice %arg2[%dma_start3A_430, %dma_start3A_431] : memref<10000x128xf32, #tpu.memory_space<hbm>> -> memref<10000x128xf32, #tpu.memory_space<hbm>>
      tpu.enqueue_indirect_dma source(%dma_start3A_432 : memref<10000x128xf32, #tpu.memory_space<hbm>>) target(%arg13 : memref<64x128xf32, #tpu.memory_space<vmem>>) offsets(%arg16 : memref<64xi32, #tpu.memory_space<vmem>>) semaphore(%arg23 : memref<!tpu.dma_semaphore, #tpu.memory_space<semaphore_mem>>)
      %add3A_433 = arith.constant 2 : i32
      %add3A_434 = arith.addi %add3A_269, %add3A_433 : i32
      %dma_wait3A_435 = arith.constant 0 : i32
      %dma_wait3A_436 = arith.constant 0 : i32
      %dma_wait3A_437 = tpu.memref_slice %arg2[%dma_wait3A_435, %dma_wait3A_436] : memref<10000x128xf32, #tpu.memory_space<hbm>> -> memref<10000x128xf32, #tpu.memory_space<hbm>>
      tpu.wait_indirect_dma semaphore(%arg24 : memref<!tpu.dma_semaphore, #tpu.memory_space<semaphore_mem>>) src(%dma_wait3A_437 : memref<10000x128xf32, #tpu.memory_space<hbm>>) dst(%arg14 : memref<64x128xf32, #tpu.memory_space<vmem>>)
      %get3A_438 = arith.index_cast %add3A_434 : i32 to index
      %get3A_439 = arith.constant 0 : index
      %get3A_440 = tpu.vector_load %arg11[%get3A_438, %get3A_439] {strides = array<i32>} : memref<157x64xi16, #tpu.memory_space<vmem>>, vector<32xi16>,
      %bitcast3A_441 = vector.bitcast %get3A_440 : vector<32xi16> to vector<16xi32>
      %and3A_442 = arith.constant 65535 : i32
      %and3A_443 = vector.broadcast %and3A_442 : i32 to vector<16xi32>
      %and3A_444 = arith.andi %bitcast3A_441, %and3A_443 : vector<16xi32>
      %swap3A_445 = arith.constant 0 : index
      %swap3A_446 = tpu.vector_load %arg18[%swap3A_445] {strides = array<i32>} : memref<64xi32, #tpu.memory_space<vmem>>, vector<16xi32>,
      tpu.vector_store %arg18[%swap3A_445], %and3A_444 {strides = array<i32>} : memref<64xi32, #tpu.memory_space<vmem>>, vector<16xi32>,
      %shift_right_logical3A_447 = arith.constant 16 : i32
      %shift_right_logical3A_448 = vector.broadcast %shift_right_logical3A_447 : i32 to vector<16xi32>
      %shift_right_logical3A_449 = arith.shrui %bitcast3A_441, %shift_right_logical3A_448 : vector<16xi32>
      %swap3A_450 = arith.constant 16 : index
      %swap3A_451 = tpu.vector_load %arg18[%swap3A_450] {strides = array<i32>} : memref<64xi32, #tpu.memory_space<vmem>>, vector<16xi32>,
      tpu.vector_store %arg18[%swap3A_450], %shift_right_logical3A_449 {strides = array<i32>} : memref<64xi32, #tpu.memory_space<vmem>>, vector<16xi32>,
      %get3A_452 = arith.index_cast %add3A_434 : i32 to index
      %get3A_453 = arith.constant 32 : index
      %get3A_454 = tpu.vector_load %arg11[%get3A_452, %get3A_453] {strides = array<i32>} : memref<157x64xi16, #tpu.memory_space<vmem>>, vector<32xi16>,
      %bitcast3A_455 = vector.bitcast %get3A_454 : vector<32xi16> to vector<16xi32>
      %and3A_456 = arith.constant 65535 : i32
      %and3A_457 = vector.broadcast %and3A_456 : i32 to vector<16xi32>
      %and3A_458 = arith.andi %bitcast3A_455, %and3A_457 : vector<16xi32>
      %swap3A_459 = arith.constant 32 : index
      %swap3A_460 = tpu.vector_load %arg18[%swap3A_459] {strides = array<i32>} : memref<64xi32, #tpu.memory_space<vmem>>, vector<16xi32>,
      tpu.vector_store %arg18[%swap3A_459], %and3A_458 {strides = array<i32>} : memref<64xi32, #tpu.memory_space<vmem>>, vector<16xi32>,
      %shift_right_logical3A_461 = arith.constant 16 : i32
      %shift_right_logical3A_462 = vector.broadcast %shift_right_logical3A_461 : i32 to vector<16xi32>
      %shift_right_logical3A_463 = arith.shrui %bitcast3A_455, %shift_right_logical3A_462 : vector<16xi32>
      %swap3A_464 = arith.constant 48 : index
      %swap3A_465 = tpu.vector_load %arg18[%swap3A_464] {strides = array<i32>} : memref<64xi32, #tpu.memory_space<vmem>>, vector<16xi32>,
      tpu.vector_store %arg18[%swap3A_464], %shift_right_logical3A_463 {strides = array<i32>} : memref<64xi32, #tpu.memory_space<vmem>>, vector<16xi32>,
      "tpu.region"() ({
        %run_scoped3A = tpu.sem_alloc : memref<!tpu.dma_semaphore, #tpu.memory_space<semaphore_mem>>
        %dma_start3A_466 = arith.constant 0 : i32
        %dma_start3A_467 = arith.constant 0 : i32
        %dma_start3A_468 = tpu.memref_slice %arg20[%dma_start3A_466, %dma_start3A_467] : memref<10112x128xf32, #tpu.memory_space<vmem_shared>> -> memref<10112x128xf32, #tpu.memory_space<vmem_shared>>
        tpu.enqueue_indirect_dma source(%arg14 : memref<64x128xf32, #tpu.memory_space<vmem>>) target(%dma_start3A_468 : memref<10112x128xf32, #tpu.memory_space<vmem_shared>>) offsets(%arg18 : memref<64xi32, #tpu.memory_space<vmem>>) semaphore(%run_scoped3A : memref<!tpu.dma_semaphore, #tpu.memory_space<semaphore_mem>>) {add = true}
        %dma_wait3A_469 = arith.constant 0 : i32
        %dma_wait3A_470 = arith.constant 0 : i32
        %dma_wait3A_471 = tpu.memref_slice %arg20[%dma_wait3A_469, %dma_wait3A_470] : memref<10112x128xf32, #tpu.memory_space<vmem_shared>> -> memref<10112x128xf32, #tpu.memory_space<vmem_shared>>
        tpu.wait_indirect_dma semaphore(%run_scoped3A : memref<!tpu.dma_semaphore, #tpu.memory_space<semaphore_mem>>) src(%arg14 : memref<64x128xf32, #tpu.memory_space<vmem>>) dst(%dma_wait3A_471 : memref<10112x128xf32, #tpu.memory_space<vmem_shared>>)
        tpu.yield
      }) : () -> ()
      "tpu.region"() ({
        %run_scoped3A = tpu.sem_alloc : memref<!tpu.dma_semaphore, #tpu.memory_space<semaphore_mem>>
        %dma_start3A_466 = arith.constant 0 : i32
        %dma_start3A_467 = arith.constant 0 : i32
        %dma_start3A_468 = tpu.memref_slice %arg21[%dma_start3A_466, %dma_start3A_467] : memref<10112x16xf32, #tpu.memory_space<vmem_shared>> -> memref<10112x16xf32, #tpu.memory_space<vmem_shared>>
        tpu.enqueue_indirect_dma source(%arg19 : memref<64x16xf32, #tpu.memory_space<vmem>>) target(%dma_start3A_468 : memref<10112x16xf32, #tpu.memory_space<vmem_shared>>) offsets(%arg18 : memref<64xi32, #tpu.memory_space<vmem>>) semaphore(%run_scoped3A : memref<!tpu.dma_semaphore, #tpu.memory_space<semaphore_mem>>) {add = true}
        %dma_wait3A_469 = arith.constant 0 : i32
        %dma_wait3A_470 = arith.constant 0 : i32
        %dma_wait3A_471 = tpu.memref_slice %arg21[%dma_wait3A_469, %dma_wait3A_470] : memref<10112x16xf32, #tpu.memory_space<vmem_shared>> -> memref<10112x16xf32, #tpu.memory_space<vmem_shared>>
        tpu.wait_indirect_dma semaphore(%run_scoped3A : memref<!tpu.dma_semaphore, #tpu.memory_space<semaphore_mem>>) src(%arg19 : memref<64x16xf32, #tpu.memory_space<vmem>>) dst(%dma_wait3A_471 : memref<10112x16xf32, #tpu.memory_space<vmem_shared>>)
        tpu.yield
      }) : () -> ()
    }
    %scan3A_66 = arith.constant 51 : i32
    %get3A_67 = arith.constant 155 : i32
    %get3A_68 = arith.index_cast %get3A_67 : i32 to index
    %get3A_69 = arith.constant 0 : index
    %get3A_70 = tpu.vector_load %arg10[%get3A_68, %get3A_69] {strides = array<i32>} : memref<157x64xi16, #tpu.memory_space<vmem>>, vector<32xi16>,
    %bitcast3A_71 = vector.bitcast %get3A_70 : vector<32xi16> to vector<16xi32>
    %and3A_72 = arith.constant 65535 : i32
    %and3A_73 = vector.broadcast %and3A_72 : i32 to vector<16xi32>
    %and3A_74 = arith.andi %bitcast3A_71, %and3A_73 : vector<16xi32>
    %swap3A_75 = arith.constant 0 : index
    %swap3A_76 = tpu.vector_load %arg17[%swap3A_75] {strides = array<i32>} : memref<64xi32, #tpu.memory_space<vmem>>, vector<16xi32>,
    tpu.vector_store %arg17[%swap3A_75], %and3A_74 {strides = array<i32>} : memref<64xi32, #tpu.memory_space<vmem>>, vector<16xi32>,
    %shift_right_logical3A_77 = arith.constant 16 : i32
    %shift_right_logical3A_78 = vector.broadcast %shift_right_logical3A_77 : i32 to vector<16xi32>
    %shift_right_logical3A_79 = arith.shrui %bitcast3A_71, %shift_right_logical3A_78 : vector<16xi32>
    %swap3A_80 = arith.constant 16 : index
    %swap3A_81 = tpu.vector_load %arg17[%swap3A_80] {strides = array<i32>} : memref<64xi32, #tpu.memory_space<vmem>>, vector<16xi32>,
    tpu.vector_store %arg17[%swap3A_80], %shift_right_logical3A_79 {strides = array<i32>} : memref<64xi32, #tpu.memory_space<vmem>>, vector<16xi32>,
    %get3A_82 = arith.constant 155 : i32
    %get3A_83 = arith.index_cast %get3A_82 : i32 to index
    %get3A_84 = arith.constant 32 : index
    %get3A_85 = tpu.vector_load %arg10[%get3A_83, %get3A_84] {strides = array<i32>} : memref<157x64xi16, #tpu.memory_space<vmem>>, vector<32xi16>,
    %bitcast3A_86 = vector.bitcast %get3A_85 : vector<32xi16> to vector<16xi32>
    %and3A_87 = arith.constant 65535 : i32
    %and3A_88 = vector.broadcast %and3A_87 : i32 to vector<16xi32>
    %and3A_89 = arith.andi %bitcast3A_86, %and3A_88 : vector<16xi32>
    %swap3A_90 = arith.constant 32 : index
    %swap3A_91 = tpu.vector_load %arg17[%swap3A_90] {strides = array<i32>} : memref<64xi32, #tpu.memory_space<vmem>>, vector<16xi32>,
    tpu.vector_store %arg17[%swap3A_90], %and3A_89 {strides = array<i32>} : memref<64xi32, #tpu.memory_space<vmem>>, vector<16xi32>,
    %shift_right_logical3A_92 = arith.constant 16 : i32
    %shift_right_logical3A_93 = vector.broadcast %shift_right_logical3A_92 : i32 to vector<16xi32>
    %shift_right_logical3A_94 = arith.shrui %bitcast3A_86, %shift_right_logical3A_93 : vector<16xi32>
    %swap3A_95 = arith.constant 48 : index
    %swap3A_96 = tpu.vector_load %arg17[%swap3A_95] {strides = array<i32>} : memref<64xi32, #tpu.memory_space<vmem>>, vector<16xi32>,
    tpu.vector_store %arg17[%swap3A_95], %shift_right_logical3A_94 {strides = array<i32>} : memref<64xi32, #tpu.memory_space<vmem>>, vector<16xi32>,
    %dma_start3A_97 = arith.constant 0 : i32
    %dma_start3A_98 = arith.constant 0 : i32
    %dma_start3A_99 = tpu.memref_slice %arg2[%dma_start3A_97, %dma_start3A_98] : memref<10000x128xf32, #tpu.memory_space<hbm>> -> memref<10000x128xf32, #tpu.memory_space<hbm>>
    tpu.enqueue_indirect_dma source(%dma_start3A_99 : memref<10000x128xf32, #tpu.memory_space<hbm>>) target(%arg14 : memref<64x128xf32, #tpu.memory_space<vmem>>) offsets(%arg17 : memref<64xi32, #tpu.memory_space<vmem>>) semaphore(%arg24 : memref<!tpu.dma_semaphore, #tpu.memory_space<semaphore_mem>>)
    %dma_wait3A = arith.constant 0 : i32
    %dma_wait3A_100 = arith.constant 0 : i32
    %dma_wait3A_101 = tpu.memref_slice %arg2[%dma_wait3A, %dma_wait3A_100] : memref<10000x128xf32, #tpu.memory_space<hbm>> -> memref<10000x128xf32, #tpu.memory_space<hbm>>
    tpu.wait_indirect_dma semaphore(%arg22 : memref<!tpu.dma_semaphore, #tpu.memory_space<semaphore_mem>>) src(%dma_wait3A_101 : memref<10000x128xf32, #tpu.memory_space<hbm>>) dst(%arg12 : memref<64x128xf32, #tpu.memory_space<vmem>>)
    %get3A_102 = arith.constant 153 : i32
    %get3A_103 = arith.index_cast %get3A_102 : i32 to index
    %get3A_104 = arith.constant 0 : index
    %get3A_105 = tpu.vector_load %arg11[%get3A_103, %get3A_104] {strides = array<i32>} : memref<157x64xi16, #tpu.memory_space<vmem>>, vector<32xi16>,
    %bitcast3A_106 = vector.bitcast %get3A_105 : vector<32xi16> to vector<16xi32>
    %and3A_107 = arith.constant 65535 : i32
    %and3A_108 = vector.broadcast %and3A_107 : i32 to vector<16xi32>
    %and3A_109 = arith.andi %bitcast3A_106, %and3A_108 : vector<16xi32>
    %swap3A_110 = arith.constant 0 : index
    %swap3A_111 = tpu.vector_load %arg18[%swap3A_110] {strides = array<i32>} : memref<64xi32, #tpu.memory_space<vmem>>, vector<16xi32>,
    tpu.vector_store %arg18[%swap3A_110], %and3A_109 {strides = array<i32>} : memref<64xi32, #tpu.memory_space<vmem>>, vector<16xi32>,
    %shift_right_logical3A_112 = arith.constant 16 : i32
    %shift_right_logical3A_113 = vector.broadcast %shift_right_logical3A_112 : i32 to vector<16xi32>
    %shift_right_logical3A_114 = arith.shrui %bitcast3A_106, %shift_right_logical3A_113 : vector<16xi32>
    %swap3A_115 = arith.constant 16 : index
    %swap3A_116 = tpu.vector_load %arg18[%swap3A_115] {strides = array<i32>} : memref<64xi32, #tpu.memory_space<vmem>>, vector<16xi32>,
    tpu.vector_store %arg18[%swap3A_115], %shift_right_logical3A_114 {strides = array<i32>} : memref<64xi32, #tpu.memory_space<vmem>>, vector<16xi32>,
    %get3A_117 = arith.constant 153 : i32
    %get3A_118 = arith.index_cast %get3A_117 : i32 to index
    %get3A_119 = arith.constant 32 : index
    %get3A_120 = tpu.vector_load %arg11[%get3A_118, %get3A_119] {strides = array<i32>} : memref<157x64xi16, #tpu.memory_space<vmem>>, vector<32xi16>,
    %bitcast3A_121 = vector.bitcast %get3A_120 : vector<32xi16> to vector<16xi32>
    %and3A_122 = arith.constant 65535 : i32
    %and3A_123 = vector.broadcast %and3A_122 : i32 to vector<16xi32>
    %and3A_124 = arith.andi %bitcast3A_121, %and3A_123 : vector<16xi32>
    %swap3A_125 = arith.constant 32 : index
    %swap3A_126 = tpu.vector_load %arg18[%swap3A_125] {strides = array<i32>} : memref<64xi32, #tpu.memory_space<vmem>>, vector<16xi32>,
    tpu.vector_store %arg18[%swap3A_125], %and3A_124 {strides = array<i32>} : memref<64xi32, #tpu.memory_space<vmem>>, vector<16xi32>,
    %shift_right_logical3A_127 = arith.constant 16 : i32
    %shift_right_logical3A_128 = vector.broadcast %shift_right_logical3A_127 : i32 to vector<16xi32>
    %shift_right_logical3A_129 = arith.shrui %bitcast3A_121, %shift_right_logical3A_128 : vector<16xi32>
    %swap3A_130 = arith.constant 48 : index
    %swap3A_131 = tpu.vector_load %arg18[%swap3A_130] {strides = array<i32>} : memref<64xi32, #tpu.memory_space<vmem>>, vector<16xi32>,
    tpu.vector_store %arg18[%swap3A_130], %shift_right_logical3A_129 {strides = array<i32>} : memref<64xi32, #tpu.memory_space<vmem>>, vector<16xi32>,
    "tpu.region"() ({
      %run_scoped3A = tpu.sem_alloc : memref<!tpu.dma_semaphore, #tpu.memory_space<semaphore_mem>>
      %dma_start3A_265 = arith.constant 0 : i32
      %dma_start3A_266 = arith.constant 0 : i32
      %dma_start3A_267 = tpu.memref_slice %arg20[%dma_start3A_265, %dma_start3A_266] : memref<10112x128xf32, #tpu.memory_space<vmem_shared>> -> memref<10112x128xf32, #tpu.memory_space<vmem_shared>>
      tpu.enqueue_indirect_dma source(%arg12 : memref<64x128xf32, #tpu.memory_space<vmem>>) target(%dma_start3A_267 : memref<10112x128xf32, #tpu.memory_space<vmem_shared>>) offsets(%arg18 : memref<64xi32, #tpu.memory_space<vmem>>) semaphore(%run_scoped3A : memref<!tpu.dma_semaphore, #tpu.memory_space<semaphore_mem>>) {add = true}
      %dma_wait3A_268 = arith.constant 0 : i32
      %dma_wait3A_269 = arith.constant 0 : i32
      %dma_wait3A_270 = tpu.memref_slice %arg20[%dma_wait3A_268, %dma_wait3A_269] : memref<10112x128xf32, #tpu.memory_space<vmem_shared>> -> memref<10112x128xf32, #tpu.memory_space<vmem_shared>>
      tpu.wait_indirect_dma semaphore(%run_scoped3A : memref<!tpu.dma_semaphore, #tpu.memory_space<semaphore_mem>>) src(%arg12 : memref<64x128xf32, #tpu.memory_space<vmem>>) dst(%dma_wait3A_270 : memref<10112x128xf32, #tpu.memory_space<vmem_shared>>)
      tpu.yield
    }) : () -> ()
    "tpu.region"() ({
      %run_scoped3A = tpu.sem_alloc : memref<!tpu.dma_semaphore, #tpu.memory_space<semaphore_mem>>
      %dma_start3A_265 = arith.constant 0 : i32
      %dma_start3A_266 = arith.constant 0 : i32
      %dma_start3A_267 = tpu.memref_slice %arg21[%dma_start3A_265, %dma_start3A_266] : memref<10112x16xf32, #tpu.memory_space<vmem_shared>> -> memref<10112x16xf32, #tpu.memory_space<vmem_shared>>
      tpu.enqueue_indirect_dma source(%arg19 : memref<64x16xf32, #tpu.memory_space<vmem>>) target(%dma_start3A_267 : memref<10112x16xf32, #tpu.memory_space<vmem_shared>>) offsets(%arg18 : memref<64xi32, #tpu.memory_space<vmem>>) semaphore(%run_scoped3A : memref<!tpu.dma_semaphore, #tpu.memory_space<semaphore_mem>>) {add = true}
      %dma_wait3A_268 = arith.constant 0 : i32
      %dma_wait3A_269 = arith.constant 0 : i32
      %dma_wait3A_270 = tpu.memref_slice %arg21[%dma_wait3A_268, %dma_wait3A_269] : memref<10112x16xf32, #tpu.memory_space<vmem_shared>> -> memref<10112x16xf32, #tpu.memory_space<vmem_shared>>
      tpu.wait_indirect_dma semaphore(%run_scoped3A : memref<!tpu.dma_semaphore, #tpu.memory_space<semaphore_mem>>) src(%arg19 : memref<64x16xf32, #tpu.memory_space<vmem>>) dst(%dma_wait3A_270 : memref<10112x16xf32, #tpu.memory_space<vmem_shared>>)
      tpu.yield
    }) : () -> ()
    %get3A_132 = arith.constant 156 : i32
    %get3A_133 = arith.index_cast %get3A_132 : i32 to index
    %get3A_134 = arith.constant 0 : index
    %get3A_135 = tpu.vector_load %arg10[%get3A_133, %get3A_134] {strides = array<i32>} : memref<157x64xi16, #tpu.memory_space<vmem>>, vector<32xi16>,
    %bitcast3A_136 = vector.bitcast %get3A_135 : vector<32xi16> to vector<16xi32>
    %and3A_137 = arith.constant 65535 : i32
    %and3A_138 = vector.broadcast %and3A_137 : i32 to vector<16xi32>
    %and3A_139 = arith.andi %bitcast3A_136, %and3A_138 : vector<16xi32>
    %swap3A_140 = arith.constant 0 : index
    %swap3A_141 = tpu.vector_load %arg15[%swap3A_140] {strides = array<i32>} : memref<64xi32, #tpu.memory_space<vmem>>, vector<16xi32>,
    tpu.vector_store %arg15[%swap3A_140], %and3A_139 {strides = array<i32>} : memref<64xi32, #tpu.memory_space<vmem>>, vector<16xi32>,
    %shift_right_logical3A_142 = arith.constant 16 : i32
    %shift_right_logical3A_143 = vector.broadcast %shift_right_logical3A_142 : i32 to vector<16xi32>
    %shift_right_logical3A_144 = arith.shrui %bitcast3A_136, %shift_right_logical3A_143 : vector<16xi32>
    %swap3A_145 = arith.constant 16 : index
    %swap3A_146 = tpu.vector_load %arg15[%swap3A_145] {strides = array<i32>} : memref<64xi32, #tpu.memory_space<vmem>>, vector<16xi32>,
    tpu.vector_store %arg15[%swap3A_145], %shift_right_logical3A_144 {strides = array<i32>} : memref<64xi32, #tpu.memory_space<vmem>>, vector<16xi32>,
    %get3A_147 = arith.constant 156 : i32
    %get3A_148 = arith.index_cast %get3A_147 : i32 to index
    %get3A_149 = arith.constant 32 : index
    %get3A_150 = tpu.vector_load %arg10[%get3A_148, %get3A_149] {strides = array<i32>} : memref<157x64xi16, #tpu.memory_space<vmem>>, vector<32xi16>,
    %bitcast3A_151 = vector.bitcast %get3A_150 : vector<32xi16> to vector<16xi32>
    %and3A_152 = arith.constant 65535 : i32
    %and3A_153 = vector.broadcast %and3A_152 : i32 to vector<16xi32>
    %and3A_154 = arith.andi %bitcast3A_151, %and3A_153 : vector<16xi32>
    %swap3A_155 = arith.constant 32 : index
    %swap3A_156 = tpu.vector_load %arg15[%swap3A_155] {strides = array<i32>} : memref<64xi32, #tpu.memory_space<vmem>>, vector<16xi32>,
    tpu.vector_store %arg15[%swap3A_155], %and3A_154 {strides = array<i32>} : memref<64xi32, #tpu.memory_space<vmem>>, vector<16xi32>,
    %shift_right_logical3A_157 = arith.constant 16 : i32
    %shift_right_logical3A_158 = vector.broadcast %shift_right_logical3A_157 : i32 to vector<16xi32>
    %shift_right_logical3A_159 = arith.shrui %bitcast3A_151, %shift_right_logical3A_158 : vector<16xi32>
    %swap3A_160 = arith.constant 48 : index
    %swap3A_161 = tpu.vector_load %arg15[%swap3A_160] {strides = array<i32>} : memref<64xi32, #tpu.memory_space<vmem>>, vector<16xi32>,
    tpu.vector_store %arg15[%swap3A_160], %shift_right_logical3A_159 {strides = array<i32>} : memref<64xi32, #tpu.memory_space<vmem>>, vector<16xi32>,
    %dma_start3A_162 = arith.constant 0 : i32
    %dma_start3A_163 = arith.constant 0 : i32
    %dma_start3A_164 = tpu.memref_slice %arg2[%dma_start3A_162, %dma_start3A_163] : memref<10000x128xf32, #tpu.memory_space<hbm>> -> memref<10000x128xf32, #tpu.memory_space<hbm>>
    tpu.enqueue_indirect_dma source(%dma_start3A_164 : memref<10000x128xf32, #tpu.memory_space<hbm>>) target(%arg12 : memref<64x128xf32, #tpu.memory_space<vmem>>) offsets(%arg15 : memref<64xi32, #tpu.memory_space<vmem>>) semaphore(%arg22 : memref<!tpu.dma_semaphore, #tpu.memory_space<semaphore_mem>>)
    %dma_wait3A_165 = arith.constant 0 : i32
    %dma_wait3A_166 = arith.constant 0 : i32
    %dma_wait3A_167 = tpu.memref_slice %arg2[%dma_wait3A_165, %dma_wait3A_166] : memref<10000x128xf32, #tpu.memory_space<hbm>> -> memref<10000x128xf32, #tpu.memory_space<hbm>>
    tpu.wait_indirect_dma semaphore(%arg23 : memref<!tpu.dma_semaphore, #tpu.memory_space<semaphore_mem>>) src(%dma_wait3A_167 : memref<10000x128xf32, #tpu.memory_space<hbm>>) dst(%arg13 : memref<64x128xf32, #tpu.memory_space<vmem>>)
    %get3A_168 = arith.constant 154 : i32
    %get3A_169 = arith.index_cast %get3A_168 : i32 to index
    %get3A_170 = arith.constant 0 : index
    %get3A_171 = tpu.vector_load %arg11[%get3A_169, %get3A_170] {strides = array<i32>} : memref<157x64xi16, #tpu.memory_space<vmem>>, vector<32xi16>,
    %bitcast3A_172 = vector.bitcast %get3A_171 : vector<32xi16> to vector<16xi32>
    %and3A_173 = arith.constant 65535 : i32
    %and3A_174 = vector.broadcast %and3A_173 : i32 to vector<16xi32>
    %and3A_175 = arith.andi %bitcast3A_172, %and3A_174 : vector<16xi32>
    %swap3A_176 = arith.constant 0 : index
    %swap3A_177 = tpu.vector_load %arg18[%swap3A_176] {strides = array<i32>} : memref<64xi32, #tpu.memory_space<vmem>>, vector<16xi32>,
    tpu.vector_store %arg18[%swap3A_176], %and3A_175 {strides = array<i32>} : memref<64xi32, #tpu.memory_space<vmem>>, vector<16xi32>,
    %shift_right_logical3A_178 = arith.constant 16 : i32
    %shift_right_logical3A_179 = vector.broadcast %shift_right_logical3A_178 : i32 to vector<16xi32>
    %shift_right_logical3A_180 = arith.shrui %bitcast3A_172, %shift_right_logical3A_179 : vector<16xi32>
    %swap3A_181 = arith.constant 16 : index
    %swap3A_182 = tpu.vector_load %arg18[%swap3A_181] {strides = array<i32>} : memref<64xi32, #tpu.memory_space<vmem>>, vector<16xi32>,
    tpu.vector_store %arg18[%swap3A_181], %shift_right_logical3A_180 {strides = array<i32>} : memref<64xi32, #tpu.memory_space<vmem>>, vector<16xi32>,
    %get3A_183 = arith.constant 154 : i32
    %get3A_184 = arith.index_cast %get3A_183 : i32 to index
    %get3A_185 = arith.constant 32 : index
    %get3A_186 = tpu.vector_load %arg11[%get3A_184, %get3A_185] {strides = array<i32>} : memref<157x64xi16, #tpu.memory_space<vmem>>, vector<32xi16>,
    %bitcast3A_187 = vector.bitcast %get3A_186 : vector<32xi16> to vector<16xi32>
    %and3A_188 = arith.constant 65535 : i32
    %and3A_189 = vector.broadcast %and3A_188 : i32 to vector<16xi32>
    %and3A_190 = arith.andi %bitcast3A_187, %and3A_189 : vector<16xi32>
    %swap3A_191 = arith.constant 32 : index
    %swap3A_192 = tpu.vector_load %arg18[%swap3A_191] {strides = array<i32>} : memref<64xi32, #tpu.memory_space<vmem>>, vector<16xi32>,
    tpu.vector_store %arg18[%swap3A_191], %and3A_190 {strides = array<i32>} : memref<64xi32, #tpu.memory_space<vmem>>, vector<16xi32>,
    %shift_right_logical3A_193 = arith.constant 16 : i32
    %shift_right_logical3A_194 = vector.broadcast %shift_right_logical3A_193 : i32 to vector<16xi32>
    %shift_right_logical3A_195 = arith.shrui %bitcast3A_187, %shift_right_logical3A_194 : vector<16xi32>
    %swap3A_196 = arith.constant 48 : index
    %swap3A_197 = tpu.vector_load %arg18[%swap3A_196] {strides = array<i32>} : memref<64xi32, #tpu.memory_space<vmem>>, vector<16xi32>,
    tpu.vector_store %arg18[%swap3A_196], %shift_right_logical3A_195 {strides = array<i32>} : memref<64xi32, #tpu.memory_space<vmem>>, vector<16xi32>,
    "tpu.region"() ({
      %run_scoped3A = tpu.sem_alloc : memref<!tpu.dma_semaphore, #tpu.memory_space<semaphore_mem>>
      %dma_start3A_265 = arith.constant 0 : i32
      %dma_start3A_266 = arith.constant 0 : i32
      %dma_start3A_267 = tpu.memref_slice %arg20[%dma_start3A_265, %dma_start3A_266] : memref<10112x128xf32, #tpu.memory_space<vmem_shared>> -> memref<10112x128xf32, #tpu.memory_space<vmem_shared>>
      tpu.enqueue_indirect_dma source(%arg13 : memref<64x128xf32, #tpu.memory_space<vmem>>) target(%dma_start3A_267 : memref<10112x128xf32, #tpu.memory_space<vmem_shared>>) offsets(%arg18 : memref<64xi32, #tpu.memory_space<vmem>>) semaphore(%run_scoped3A : memref<!tpu.dma_semaphore, #tpu.memory_space<semaphore_mem>>) {add = true}
      %dma_wait3A_268 = arith.constant 0 : i32
      %dma_wait3A_269 = arith.constant 0 : i32
      %dma_wait3A_270 = tpu.memref_slice %arg20[%dma_wait3A_268, %dma_wait3A_269] : memref<10112x128xf32, #tpu.memory_space<vmem_shared>> -> memref<10112x128xf32, #tpu.memory_space<vmem_shared>>
      tpu.wait_indirect_dma semaphore(%run_scoped3A : memref<!tpu.dma_semaphore, #tpu.memory_space<semaphore_mem>>) src(%arg13 : memref<64x128xf32, #tpu.memory_space<vmem>>) dst(%dma_wait3A_270 : memref<10112x128xf32, #tpu.memory_space<vmem_shared>>)
      tpu.yield
    }) : () -> ()
    "tpu.region"() ({
      %run_scoped3A = tpu.sem_alloc : memref<!tpu.dma_semaphore, #tpu.memory_space<semaphore_mem>>
      %dma_start3A_265 = arith.constant 0 : i32
      %dma_start3A_266 = arith.constant 0 : i32
      %dma_start3A_267 = tpu.memref_slice %arg21[%dma_start3A_265, %dma_start3A_266] : memref<10112x16xf32, #tpu.memory_space<vmem_shared>> -> memref<10112x16xf32, #tpu.memory_space<vmem_shared>>
      tpu.enqueue_indirect_dma source(%arg19 : memref<64x16xf32, #tpu.memory_space<vmem>>) target(%dma_start3A_267 : memref<10112x16xf32, #tpu.memory_space<vmem_shared>>) offsets(%arg18 : memref<64xi32, #tpu.memory_space<vmem>>) semaphore(%run_scoped3A : memref<!tpu.dma_semaphore, #tpu.memory_space<semaphore_mem>>) {add = true}
      %dma_wait3A_268 = arith.constant 0 : i32
      %dma_wait3A_269 = arith.constant 0 : i32
      %dma_wait3A_270 = tpu.memref_slice %arg21[%dma_wait3A_268, %dma_wait3A_269] : memref<10112x16xf32, #tpu.memory_space<vmem_shared>> -> memref<10112x16xf32, #tpu.memory_space<vmem_shared>>
      tpu.wait_indirect_dma semaphore(%run_scoped3A : memref<!tpu.dma_semaphore, #tpu.memory_space<semaphore_mem>>) src(%arg19 : memref<64x16xf32, #tpu.memory_space<vmem>>) dst(%dma_wait3A_270 : memref<10112x16xf32, #tpu.memory_space<vmem_shared>>)
      tpu.yield
    }) : () -> ()
    %dma_wait3A_198 = arith.constant 0 : i32
    %dma_wait3A_199 = arith.constant 0 : i32
    %dma_wait3A_200 = tpu.memref_slice %arg2[%dma_wait3A_198, %dma_wait3A_199] : memref<10000x128xf32, #tpu.memory_space<hbm>> -> memref<10000x128xf32, #tpu.memory_space<hbm>>
    tpu.wait_indirect_dma semaphore(%arg24 : memref<!tpu.dma_semaphore, #tpu.memory_space<semaphore_mem>>) src(%dma_wait3A_200 : memref<10000x128xf32, #tpu.memory_space<hbm>>) dst(%arg14 : memref<64x128xf32, #tpu.memory_space<vmem>>)
    %get3A_201 = arith.constant 155 : i32
    %get3A_202 = arith.index_cast %get3A_201 : i32 to index
    %get3A_203 = arith.constant 0 : index
    %get3A_204 = tpu.vector_load %arg11[%get3A_202, %get3A_203] {strides = array<i32>} : memref<157x64xi16, #tpu.memory_space<vmem>>, vector<32xi16>,
    %bitcast3A_205 = vector.bitcast %get3A_204 : vector<32xi16> to vector<16xi32>
    %and3A_206 = arith.constant 65535 : i32
    %and3A_207 = vector.broadcast %and3A_206 : i32 to vector<16xi32>
    %and3A_208 = arith.andi %bitcast3A_205, %and3A_207 : vector<16xi32>
    %swap3A_209 = arith.constant 0 : index
    %swap3A_210 = tpu.vector_load %arg18[%swap3A_209] {strides = array<i32>} : memref<64xi32, #tpu.memory_space<vmem>>, vector<16xi32>,
    tpu.vector_store %arg18[%swap3A_209], %and3A_208 {strides = array<i32>} : memref<64xi32, #tpu.memory_space<vmem>>, vector<16xi32>,
    %shift_right_logical3A_211 = arith.constant 16 : i32
    %shift_right_logical3A_212 = vector.broadcast %shift_right_logical3A_211 : i32 to vector<16xi32>
    %shift_right_logical3A_213 = arith.shrui %bitcast3A_205, %shift_right_logical3A_212 : vector<16xi32>
    %swap3A_214 = arith.constant 16 : index
    %swap3A_215 = tpu.vector_load %arg18[%swap3A_214] {strides = array<i32>} : memref<64xi32, #tpu.memory_space<vmem>>, vector<16xi32>,
    tpu.vector_store %arg18[%swap3A_214], %shift_right_logical3A_213 {strides = array<i32>} : memref<64xi32, #tpu.memory_space<vmem>>, vector<16xi32>,
    %get3A_216 = arith.constant 155 : i32
    %get3A_217 = arith.index_cast %get3A_216 : i32 to index
    %get3A_218 = arith.constant 32 : index
    %get3A_219 = tpu.vector_load %arg11[%get3A_217, %get3A_218] {strides = array<i32>} : memref<157x64xi16, #tpu.memory_space<vmem>>, vector<32xi16>,
    %bitcast3A_220 = vector.bitcast %get3A_219 : vector<32xi16> to vector<16xi32>
    %and3A_221 = arith.constant 65535 : i32
    %and3A_222 = vector.broadcast %and3A_221 : i32 to vector<16xi32>
    %and3A_223 = arith.andi %bitcast3A_220, %and3A_222 : vector<16xi32>
    %swap3A_224 = arith.constant 32 : index
    %swap3A_225 = tpu.vector_load %arg18[%swap3A_224] {strides = array<i32>} : memref<64xi32, #tpu.memory_space<vmem>>, vector<16xi32>,
    tpu.vector_store %arg18[%swap3A_224], %and3A_223 {strides = array<i32>} : memref<64xi32, #tpu.memory_space<vmem>>, vector<16xi32>,
    %shift_right_logical3A_226 = arith.constant 16 : i32
    %shift_right_logical3A_227 = vector.broadcast %shift_right_logical3A_226 : i32 to vector<16xi32>
    %shift_right_logical3A_228 = arith.shrui %bitcast3A_220, %shift_right_logical3A_227 : vector<16xi32>
    %swap3A_229 = arith.constant 48 : index
    %swap3A_230 = tpu.vector_load %arg18[%swap3A_229] {strides = array<i32>} : memref<64xi32, #tpu.memory_space<vmem>>, vector<16xi32>,
    tpu.vector_store %arg18[%swap3A_229], %shift_right_logical3A_228 {strides = array<i32>} : memref<64xi32, #tpu.memory_space<vmem>>, vector<16xi32>,
    "tpu.region"() ({
      %run_scoped3A = tpu.sem_alloc : memref<!tpu.dma_semaphore, #tpu.memory_space<semaphore_mem>>
      %dma_start3A_265 = arith.constant 0 : i32
      %dma_start3A_266 = arith.constant 0 : i32
      %dma_start3A_267 = tpu.memref_slice %arg20[%dma_start3A_265, %dma_start3A_266] : memref<10112x128xf32, #tpu.memory_space<vmem_shared>> -> memref<10112x128xf32, #tpu.memory_space<vmem_shared>>
      tpu.enqueue_indirect_dma source(%arg14 : memref<64x128xf32, #tpu.memory_space<vmem>>) target(%dma_start3A_267 : memref<10112x128xf32, #tpu.memory_space<vmem_shared>>) offsets(%arg18 : memref<64xi32, #tpu.memory_space<vmem>>) semaphore(%run_scoped3A : memref<!tpu.dma_semaphore, #tpu.memory_space<semaphore_mem>>) {add = true}
      %dma_wait3A_268 = arith.constant 0 : i32
      %dma_wait3A_269 = arith.constant 0 : i32
      %dma_wait3A_270 = tpu.memref_slice %arg20[%dma_wait3A_268, %dma_wait3A_269] : memref<10112x128xf32, #tpu.memory_space<vmem_shared>> -> memref<10112x128xf32, #tpu.memory_space<vmem_shared>>
      tpu.wait_indirect_dma semaphore(%run_scoped3A : memref<!tpu.dma_semaphore, #tpu.memory_space<semaphore_mem>>) src(%arg14 : memref<64x128xf32, #tpu.memory_space<vmem>>) dst(%dma_wait3A_270 : memref<10112x128xf32, #tpu.memory_space<vmem_shared>>)
      tpu.yield
    }) : () -> ()
    "tpu.region"() ({
      %run_scoped3A = tpu.sem_alloc : memref<!tpu.dma_semaphore, #tpu.memory_space<semaphore_mem>>
      %dma_start3A_265 = arith.constant 0 : i32
      %dma_start3A_266 = arith.constant 0 : i32
      %dma_start3A_267 = tpu.memref_slice %arg21[%dma_start3A_265, %dma_start3A_266] : memref<10112x16xf32, #tpu.memory_space<vmem_shared>> -> memref<10112x16xf32, #tpu.memory_space<vmem_shared>>
      tpu.enqueue_indirect_dma source(%arg19 : memref<64x16xf32, #tpu.memory_space<vmem>>) target(%dma_start3A_267 : memref<10112x16xf32, #tpu.memory_space<vmem_shared>>) offsets(%arg18 : memref<64xi32, #tpu.memory_space<vmem>>) semaphore(%run_scoped3A : memref<!tpu.dma_semaphore, #tpu.memory_space<semaphore_mem>>) {add = true}
      %dma_wait3A_268 = arith.constant 0 : i32
      %dma_wait3A_269 = arith.constant 0 : i32
      %dma_wait3A_270 = tpu.memref_slice %arg21[%dma_wait3A_268, %dma_wait3A_269] : memref<10112x16xf32, #tpu.memory_space<vmem_shared>> -> memref<10112x16xf32, #tpu.memory_space<vmem_shared>>
      tpu.wait_indirect_dma semaphore(%run_scoped3A : memref<!tpu.dma_semaphore, #tpu.memory_space<semaphore_mem>>) src(%arg19 : memref<64x16xf32, #tpu.memory_space<vmem>>) dst(%dma_wait3A_270 : memref<10112x16xf32, #tpu.memory_space<vmem_shared>>)
      tpu.yield
    }) : () -> ()
    %dma_wait3A_231 = arith.constant 0 : i32
    %dma_wait3A_232 = arith.constant 0 : i32
    %dma_wait3A_233 = tpu.memref_slice %arg2[%dma_wait3A_231, %dma_wait3A_232] : memref<10000x128xf32, #tpu.memory_space<hbm>> -> memref<10000x128xf32, #tpu.memory_space<hbm>>
    tpu.wait_indirect_dma semaphore(%arg22 : memref<!tpu.dma_semaphore, #tpu.memory_space<semaphore_mem>>) src(%dma_wait3A_233 : memref<10000x128xf32, #tpu.memory_space<hbm>>) dst(%arg12 : memref<64x128xf32, #tpu.memory_space<vmem>>)
    %get3A_234 = arith.constant 156 : i32
    %get3A_235 = arith.index_cast %get3A_234 : i32 to index
    %get3A_236 = arith.constant 0 : index
    %get3A_237 = tpu.vector_load %arg11[%get3A_235, %get3A_236] {strides = array<i32>} : memref<157x64xi16, #tpu.memory_space<vmem>>, vector<32xi16>,
    %bitcast3A_238 = vector.bitcast %get3A_237 : vector<32xi16> to vector<16xi32>
    %and3A_239 = arith.constant 65535 : i32
    %and3A_240 = vector.broadcast %and3A_239 : i32 to vector<16xi32>
    %and3A_241 = arith.andi %bitcast3A_238, %and3A_240 : vector<16xi32>
    %swap3A_242 = arith.constant 0 : index
    %swap3A_243 = tpu.vector_load %arg18[%swap3A_242] {strides = array<i32>} : memref<64xi32, #tpu.memory_space<vmem>>, vector<16xi32>,
    tpu.vector_store %arg18[%swap3A_242], %and3A_241 {strides = array<i32>} : memref<64xi32, #tpu.memory_space<vmem>>, vector<16xi32>,
    %shift_right_logical3A_244 = arith.constant 16 : i32
    %shift_right_logical3A_245 = vector.broadcast %shift_right_logical3A_244 : i32 to vector<16xi32>
    %shift_right_logical3A_246 = arith.shrui %bitcast3A_238, %shift_right_logical3A_245 : vector<16xi32>
    %swap3A_247 = arith.constant 16 : index
    %swap3A_248 = tpu.vector_load %arg18[%swap3A_247] {strides = array<i32>} : memref<64xi32, #tpu.memory_space<vmem>>, vector<16xi32>,
    tpu.vector_store %arg18[%swap3A_247], %shift_right_logical3A_246 {strides = array<i32>} : memref<64xi32, #tpu.memory_space<vmem>>, vector<16xi32>,
    %get3A_249 = arith.constant 156 : i32
    %get3A_250 = arith.index_cast %get3A_249 : i32 to index
    %get3A_251 = arith.constant 32 : index
    %get3A_252 = tpu.vector_load %arg11[%get3A_250, %get3A_251] {strides = array<i32>} : memref<157x64xi16, #tpu.memory_space<vmem>>, vector<32xi16>,
    %bitcast3A_253 = vector.bitcast %get3A_252 : vector<32xi16> to vector<16xi32>
    %and3A_254 = arith.constant 65535 : i32
    %and3A_255 = vector.broadcast %and3A_254 : i32 to vector<16xi32>
    %and3A_256 = arith.andi %bitcast3A_253, %and3A_255 : vector<16xi32>
    %swap3A_257 = arith.constant 32 : index
    %swap3A_258 = tpu.vector_load %arg18[%swap3A_257] {strides = array<i32>} : memref<64xi32, #tpu.memory_space<vmem>>, vector<16xi32>,
    tpu.vector_store %arg18[%swap3A_257], %and3A_256 {strides = array<i32>} : memref<64xi32, #tpu.memory_space<vmem>>, vector<16xi32>,
    %shift_right_logical3A_259 = arith.constant 16 : i32
    %shift_right_logical3A_260 = vector.broadcast %shift_right_logical3A_259 : i32 to vector<16xi32>
    %shift_right_logical3A_261 = arith.shrui %bitcast3A_253, %shift_right_logical3A_260 : vector<16xi32>
    %swap3A_262 = arith.constant 48 : index
    %swap3A_263 = tpu.vector_load %arg18[%swap3A_262] {strides = array<i32>} : memref<64xi32, #tpu.memory_space<vmem>>, vector<16xi32>,
    tpu.vector_store %arg18[%swap3A_262], %shift_right_logical3A_261 {strides = array<i32>} : memref<64xi32, #tpu.memory_space<vmem>>, vector<16xi32>,
    "tpu.region"() ({
      %run_scoped3A = tpu.sem_alloc : memref<!tpu.dma_semaphore, #tpu.memory_space<semaphore_mem>>
      %dma_start3A_265 = arith.constant 0 : i32
      %dma_start3A_266 = arith.constant 0 : i32
      %dma_start3A_267 = tpu.memref_slice %arg20[%dma_start3A_265, %dma_start3A_266] : memref<10112x128xf32, #tpu.memory_space<vmem_shared>> -> memref<10112x128xf32, #tpu.memory_space<vmem_shared>>
      tpu.enqueue_indirect_dma source(%arg12 : memref<64x128xf32, #tpu.memory_space<vmem>>) target(%dma_start3A_267 : memref<10112x128xf32, #tpu.memory_space<vmem_shared>>) offsets(%arg18 : memref<64xi32, #tpu.memory_space<vmem>>) semaphore(%run_scoped3A : memref<!tpu.dma_semaphore, #tpu.memory_space<semaphore_mem>>) {add = true}
      %dma_wait3A_268 = arith.constant 0 : i32
      %dma_wait3A_269 = arith.constant 0 : i32
      %dma_wait3A_270 = tpu.memref_slice %arg20[%dma_wait3A_268, %dma_wait3A_269] : memref<10112x128xf32, #tpu.memory_space<vmem_shared>> -> memref<10112x128xf32, #tpu.memory_space<vmem_shared>>
      tpu.wait_indirect_dma semaphore(%run_scoped3A : memref<!tpu.dma_semaphore, #tpu.memory_space<semaphore_mem>>) src(%arg12 : memref<64x128xf32, #tpu.memory_space<vmem>>) dst(%dma_wait3A_270 : memref<10112x128xf32, #tpu.memory_space<vmem_shared>>)
      tpu.yield
    }) : () -> ()
    "tpu.region"() ({
      %run_scoped3A = tpu.sem_alloc : memref<!tpu.dma_semaphore, #tpu.memory_space<semaphore_mem>>
      %dma_start3A_265 = arith.constant 0 : i32
      %dma_start3A_266 = arith.constant 0 : i32
      %dma_start3A_267 = tpu.memref_slice %arg21[%dma_start3A_265, %dma_start3A_266] : memref<10112x16xf32, #tpu.memory_space<vmem_shared>> -> memref<10112x16xf32, #tpu.memory_space<vmem_shared>>
      tpu.enqueue_indirect_dma source(%arg19 : memref<64x16xf32, #tpu.memory_space<vmem>>) target(%dma_start3A_267 : memref<10112x16xf32, #tpu.memory_space<vmem_shared>>) offsets(%arg18 : memref<64xi32, #tpu.memory_space<vmem>>) semaphore(%run_scoped3A : memref<!tpu.dma_semaphore, #tpu.memory_space<semaphore_mem>>) {add = true}
      %dma_wait3A_268 = arith.constant 0 : i32
      %dma_wait3A_269 = arith.constant 0 : i32
      %dma_wait3A_270 = tpu.memref_slice %arg21[%dma_wait3A_268, %dma_wait3A_269] : memref<10112x16xf32, #tpu.memory_space<vmem_shared>> -> memref<10112x16xf32, #tpu.memory_space<vmem_shared>>
      tpu.wait_indirect_dma semaphore(%run_scoped3A : memref<!tpu.dma_semaphore, #tpu.memory_space<semaphore_mem>>) src(%arg19 : memref<64x16xf32, #tpu.memory_space<vmem>>) dst(%dma_wait3A_270 : memref<10112x16xf32, #tpu.memory_space<vmem_shared>>)
      tpu.yield
    }) : () -> ()
    %barrier3A_264 = arith.constant 0 : index
    tpu.barrier barrier_id(%barrier3A_264)
    "tpu.region"() ({
      %run_scoped3A = tpu.sem_alloc : memref<!tpu.dma_semaphore, #tpu.memory_space<semaphore_mem>>
      %dma_start3A_265 = arith.constant 0 : i32
      %dma_start3A_266 = tpu.memref_slice %arg8[%arg0, %mul3A_2, %dma_start3A_265] : memref<2x10112x128xf32, #tpu.memory_space<hbm>> -> memref<1x632x128xf32, #tpu.memory_space<hbm>>
      %dma_start3A_267 = tpu.memref_squeeze %dma_start3A_266 : memref<1x632x128xf32, #tpu.memory_space<hbm>> -> memref<632x128xf32, #tpu.memory_space<hbm>>
      %dma_start3A_268 = arith.constant 0 : i32
      %dma_start3A_269 = tpu.memref_slice %arg20[%mul3A_2, %dma_start3A_268] : memref<10112x128xf32, #tpu.memory_space<vmem_shared>> -> memref<632x128xf32, #tpu.memory_space<vmem_shared>>
      tpu.enqueue_dma source(%dma_start3A_269 : memref<632x128xf32, #tpu.memory_space<vmem_shared>>) target(%dma_start3A_267 : memref<632x128xf32, #tpu.memory_space<hbm>>) target_semaphore(%run_scoped3A : memref<!tpu.dma_semaphore, #tpu.memory_space<semaphore_mem>>)
      %dma_wait3A_270 = arith.constant 0 : i32
      %dma_wait3A_271 = tpu.memref_slice %arg8[%arg0, %mul3A_2, %dma_wait3A_270] : memref<2x10112x128xf32, #tpu.memory_space<hbm>> -> memref<1x632x128xf32, #tpu.memory_space<hbm>>
      %dma_wait3A_272 = tpu.memref_squeeze %dma_wait3A_271 : memref<1x632x128xf32, #tpu.memory_space<hbm>> -> memref<632x128xf32, #tpu.memory_space<hbm>>
      %dma_wait3A_273 = arith.constant 0 : i32
      %dma_wait3A_274 = tpu.memref_slice %arg20[%mul3A_2, %dma_wait3A_273] : memref<10112x128xf32, #tpu.memory_space<vmem_shared>> -> memref<632x128xf32, #tpu.memory_space<vmem_shared>>
      tpu.wait_dma2 semaphore(%run_scoped3A : memref<!tpu.dma_semaphore, #tpu.memory_space<semaphore_mem>>) src(%dma_wait3A_274 : memref<632x128xf32, #tpu.memory_space<vmem_shared>>) dst(%dma_wait3A_272 : memref<632x128xf32, #tpu.memory_space<hbm>>)
      tpu.yield
    }) : () -> ()
    "tpu.region"() ({
      %run_scoped3A = tpu.sem_alloc : memref<!tpu.dma_semaphore, #tpu.memory_space<semaphore_mem>>
      %dma_start3A_265 = arith.constant 0 : i32
      %dma_start3A_266 = tpu.memref_slice %arg9[%arg0, %mul3A_2, %dma_start3A_265] : memref<2x10112x16xf32, #tpu.memory_space<hbm>> -> memref<1x632x16xf32, #tpu.memory_space<hbm>>
      %dma_start3A_267 = tpu.memref_squeeze %dma_start3A_266 : memref<1x632x16xf32, #tpu.memory_space<hbm>> -> memref<632x16xf32, #tpu.memory_space<hbm>>
      %dma_start3A_268 = arith.constant 0 : i32
      %dma_start3A_269 = tpu.memref_slice %arg21[%mul3A_2, %dma_start3A_268] : memref<10112x16xf32, #tpu.memory_space<vmem_shared>> -> memref<632x16xf32, #tpu.memory_space<vmem_shared>>
      tpu.enqueue_dma source(%dma_start3A_269 : memref<632x16xf32, #tpu.memory_space<vmem_shared>>) target(%dma_start3A_267 : memref<632x16xf32, #tpu.memory_space<hbm>>) target_semaphore(%run_scoped3A : memref<!tpu.dma_semaphore, #tpu.memory_space<semaphore_mem>>)
      %dma_wait3A_270 = arith.constant 0 : i32
      %dma_wait3A_271 = tpu.memref_slice %arg9[%arg0, %mul3A_2, %dma_wait3A_270] : memref<2x10112x16xf32, #tpu.memory_space<hbm>> -> memref<1x632x16xf32, #tpu.memory_space<hbm>>
      %dma_wait3A_272 = tpu.memref_squeeze %dma_wait3A_271 : memref<1x632x16xf32, #tpu.memory_space<hbm>> -> memref<632x16xf32, #tpu.memory_space<hbm>>
      %dma_wait3A_273 = arith.constant 0 : i32
      %dma_wait3A_274 = tpu.memref_slice %arg21[%mul3A_2, %dma_wait3A_273] : memref<10112x16xf32, #tpu.memory_space<vmem_shared>> -> memref<632x16xf32, #tpu.memory_space<vmem_shared>>
      tpu.wait_dma2 semaphore(%run_scoped3A : memref<!tpu.dma_semaphore, #tpu.memory_space<semaphore_mem>>) src(%dma_wait3A_274 : memref<632x16xf32, #tpu.memory_space<vmem_shared>>) dst(%dma_wait3A_272 : memref<632x16xf32, #tpu.memory_space<hbm>>)
      tpu.yield
    }) : () -> ()
    return
  }
}

module attributes {stable_mosaic.version = 14 : i64} {
  func.func @_mlp_body(%arg0: i32, %arg1: memref<2x1000x128xf32, #tpu.memory_space<vmem>>, %arg2: memref<2x1000x16xf32, #tpu.memory_space<vmem>>, %arg3: memref<128x256xf32, #tpu.memory_space<vmem>>, %arg4: memref<1x256xf32, #tpu.memory_space<vmem>>, %arg5: memref<256x128xf32, #tpu.memory_space<vmem>>, %arg6: memref<1x128xf32, #tpu.memory_space<vmem>>, %arg7: memref<1000x128xf32, #tpu.memory_space<vmem>>) attributes {dimension_semantics = [#tpu.dimension_semantics<arbitrary>], iteration_bounds = array<i64: 10>, scalar_prefetch = 0 : i64, scratch_operands = 0 : i64, tpu.core_type = #tpu.core_type<tc>, window_params = [{transform_indices = @transform_0, window_bounds = array<i64: 2, 1000, 128>}, {transform_indices = @transform_1, window_bounds = array<i64: 2, 1000, 16>}, {pipeline_mode = #tpu.pipeline_mode<synchronous>, transform_indices = @transform_2, window_bounds = array<i64: 128, 256>}, {pipeline_mode = #tpu.pipeline_mode<synchronous>, transform_indices = @transform_3, window_bounds = array<i64: 1, 256>}, {pipeline_mode = #tpu.pipeline_mode<synchronous>, transform_indices = @transform_4, window_bounds = array<i64: 256, 128>}, {pipeline_mode = #tpu.pipeline_mode<synchronous>, transform_indices = @transform_5, window_bounds = array<i64: 1, 128>}, {transform_indices = @transform_6, window_bounds = array<i64: 1000, 128>}]} {
    %get3A = arith.constant 0 : index
    %get3A_0 = arith.constant 0 : index
    %get3A_1 = arith.constant 0 : index
    %get3A_2 = vector.load %arg1[%get3A, %get3A_0, %get3A_1] : memref<2x1000x128xf32, #tpu.memory_space<vmem>>, vector<1x1000x128xf32>
    %get3A_3 = vector.shape_cast %get3A_2 : vector<1x1000x128xf32> to vector<1000x128xf32>
    %get3A_4 = arith.constant 1 : index
    %get3A_5 = arith.constant 0 : index
    %get3A_6 = arith.constant 0 : index
    %get3A_7 = vector.load %arg1[%get3A_4, %get3A_5, %get3A_6] : memref<2x1000x128xf32, #tpu.memory_space<vmem>>, vector<1x1000x128xf32>
    %get3A_8 = vector.shape_cast %get3A_7 : vector<1x1000x128xf32> to vector<1000x128xf32>
    %add3A = arith.addf %get3A_3, %get3A_8 : vector<1000x128xf32>
    %get3A_9 = arith.constant 0 : index
    %get3A_10 = arith.constant 0 : index
    %get3A_11 = arith.constant 0 : index
    %get3A_12 = vector.load %arg2[%get3A_9, %get3A_10, %get3A_11] : memref<2x1000x16xf32, #tpu.memory_space<vmem>>, vector<1x1000x1xf32>
    %get3A_13 = vector.shape_cast %get3A_12 : vector<1x1000x1xf32> to vector<1000x1xf32>
    %get3A_14 = arith.constant 1 : index
    %get3A_15 = arith.constant 0 : index
    %get3A_16 = arith.constant 0 : index
    %get3A_17 = vector.load %arg2[%get3A_14, %get3A_15, %get3A_16] : memref<2x1000x16xf32, #tpu.memory_space<vmem>>, vector<1x1000x1xf32>
    %get3A_18 = vector.shape_cast %get3A_17 : vector<1x1000x1xf32> to vector<1000x1xf32>
    %add3A_19 = arith.addf %get3A_13, %get3A_18 : vector<1000x1xf32>
    %max3A = arith.constant 1.000000e+00 : f32
    %max3A_20 = vector.broadcast %max3A : f32 to vector<1000x1xf32>
    %max3A_21 = arith.maximumf %add3A_19, %max3A_20 : vector<1000x1xf32>
    %div3A = vector.broadcast %max3A_21 : vector<1000x1xf32> to vector<1000x128xf32>
    %div3A_22 = arith.divf %add3A, %div3A : vector<1000x128xf32>
    %get3A_23 = arith.constant 0 : index
    %get3A_24 = arith.constant 0 : index
    %get3A_25 = vector.load %arg3[%get3A_23, %get3A_24] : memref<128x256xf32, #tpu.memory_space<vmem>>, vector<128x256xf32>
    %dot_general3A = arith.constant dense<0.000000e+00> : vector<1000x256xf32>
    %dot_general3A_26 = tpu.matmul %div3A_22, %get3A_25, %dot_general3A {dimension_numbers = #tpu.dot_dimension_numbers<[1], [0], [0], [1], [0, 0, 1, 1], [], []>, transpose_lhs_hint = false} : vector<1000x128xf32>, vector<128x256xf32>, vector<1000x256xf32> -> vector<1000x256xf32>
    %get3A_27 = arith.constant 0 : index
    %get3A_28 = arith.constant 0 : index
    %get3A_29 = vector.load %arg4[%get3A_27, %get3A_28] : memref<1x256xf32, #tpu.memory_space<vmem>>, vector<1x256xf32>
    %add3A_30 = vector.broadcast %get3A_29 : vector<1x256xf32> to vector<1000x256xf32>
    %add3A_31 = arith.addf %dot_general3A_26, %add3A_30 : vector<1000x256xf32>
    %logistic3A = arith.negf %add3A_31 : vector<1000x256xf32>
    %logistic3A_32 = math.exp %logistic3A : vector<1000x256xf32>
    %logistic3A_33 = arith.constant 1.000000e+00 : f32
    %logistic3A_34 = vector.broadcast %logistic3A_33 : f32 to vector<1000x256xf32>
    %logistic3A_35 = arith.addf %logistic3A_34, %logistic3A_32 : vector<1000x256xf32>
    %logistic3A_36 = arith.divf %logistic3A_34, %logistic3A_35 : vector<1000x256xf32>
    %mul3A = arith.mulf %add3A_31, %logistic3A_36 : vector<1000x256xf32>
    %get3A_37 = arith.constant 0 : index
    %get3A_38 = arith.constant 0 : index
    %get3A_39 = vector.load %arg5[%get3A_37, %get3A_38] : memref<256x128xf32, #tpu.memory_space<vmem>>, vector<256x128xf32>
    %dot_general3A_40 = arith.constant dense<0.000000e+00> : vector<1000x128xf32>
    %dot_general3A_41 = tpu.matmul %mul3A, %get3A_39, %dot_general3A_40 {dimension_numbers = #tpu.dot_dimension_numbers<[1], [0], [0], [1], [0, 0, 1, 1], [], []>, transpose_lhs_hint = false} : vector<1000x256xf32>, vector<256x128xf32>, vector<1000x128xf32> -> vector<1000x128xf32>
    %get3A_42 = arith.constant 0 : index
    %get3A_43 = arith.constant 0 : index
    %get3A_44 = vector.load %arg6[%get3A_42, %get3A_43] : memref<1x128xf32, #tpu.memory_space<vmem>>, vector<1x128xf32>
    %add3A_45 = vector.broadcast %get3A_44 : vector<1x128xf32> to vector<1000x128xf32>
    %add3A_46 = arith.addf %dot_general3A_41, %add3A_45 : vector<1000x128xf32>
    %swap3A = arith.constant 0 : index
    %swap3A_47 = arith.constant 0 : index
    %swap3A_48 = vector.load %arg7[%swap3A, %swap3A_47] : memref<1000x128xf32, #tpu.memory_space<vmem>>, vector<1000x128xf32>
    tpu.vector_store %arg7[%swap3A, %swap3A_47], %add3A_46 {strides = array<i32>} : memref<1000x128xf32, #tpu.memory_space<vmem>>, vector<1000x128xf32>,
    return
  }
  func.func @transform_0(%arg0: i32) -> (i32, i32, i32) {
    %c0_i32 = arith.constant 0 : i32
    %c0_i32_0 = arith.constant 0 : i32
    %c0_i32_1 = arith.constant 0 : i32
    return %c0_i32, %arg0, %c0_i32_0 : i32, i32, i32
  }
  func.func @transform_1(%arg0: i32) -> (i32, i32, i32) {
    %c0_i32 = arith.constant 0 : i32
    %c0_i32_0 = arith.constant 0 : i32
    %c0_i32_1 = arith.constant 0 : i32
    return %c0_i32, %arg0, %c0_i32_0 : i32, i32, i32
  }
  func.func @transform_2(%arg0: i32) -> (i32, i32) {
    %c0_i32 = arith.constant 0 : i32
    %c0_i32_0 = arith.constant 0 : i32
    %c0_i32_1 = arith.constant 0 : i32
    return %c0_i32, %c0_i32_0 : i32, i32
  }
  func.func @transform_3(%arg0: i32) -> (i32, i32) {
    %c0_i32 = arith.constant 0 : i32
    %c0_i32_0 = arith.constant 0 : i32
    %c0_i32_1 = arith.constant 0 : i32
    return %c0_i32, %c0_i32_0 : i32, i32
  }
  func.func @transform_4(%arg0: i32) -> (i32, i32) {
    %c0_i32 = arith.constant 0 : i32
    %c0_i32_0 = arith.constant 0 : i32
    %c0_i32_1 = arith.constant 0 : i32
    return %c0_i32, %c0_i32_0 : i32, i32
  }
  func.func @transform_5(%arg0: i32) -> (i32, i32) {
    %c0_i32 = arith.constant 0 : i32
    %c0_i32_0 = arith.constant 0 : i32
    %c0_i32_1 = arith.constant 0 : i32
    return %c0_i32, %c0_i32_0 : i32, i32
  }
  func.func @transform_6(%arg0: i32) -> (i32, i32) {
    %c0_i32 = arith.constant 0 : i32
    %c0_i32_0 = arith.constant 0 : i32
    return %arg0, %c0_i32 : i32, i32
  }
}

</mosaic_0001>

<sc_bundles>
// kernel: kernel.4.cloned.1.call-start
scs
__scs_entry_jumppad:
0x0: {  	(pc) =	sbr.rel $0x88, $3  }
0x1: {  	(tag) =	ssettag $0x0;
	lr =	simm.s32 $0x1  }
0x2: {  	[smem:$0x3F9A] =	sst lr;
	_ =	strace $0xD0000000  }
0x3: {  	_ = 	snop  }
0x4: {  	_ = 	snop  }
0x5: {  	_ = 	snop  }
0x6: {  	_ = 	snop  }
0x7: {  	_ = 	snop  }
__scs_overlays_trampoline_lowered:
0x8: {  	[smem:$0x3FA9] =	sst s0  }
0x9: {  	[smem:$0x3FAA] =	sst s1  }
0xa: {  	[smem:$0x3FAB] =	sst s2  }
0xb: {  	[smem:$0x3FAC] =	sst s3  }
0xc: {  	[smem:$0x3FAD] =	sst s4  }
0xd: {  	[smem:$0x3FAE] =	sst s5  }
0xe: {  	[smem:$0x3FAF] =	sst s6  }
0xf: {  	[smem:$0x3FB0] =	sst s7  }
0x10: {  	[smem:$0x3FB1] =	sst s8  }
0x11: {  	[smem:$0x3FB2] =	sst s9;
	s0 =	simm.s32 @!p0 $0x0  }
0x12: {  	s1 =	sld [smem:$0x3F98];
	s0 =	simm.s32 @p0 $0x1  }
0x13: {  	[smem:$0x3FB3] =	sst s0;
	s0 =	simm.s32 @!p1 $0x0  }
0x14: {  	s2 =	sld [smem:$0x3F97];
	s0 =	simm.s32 @p1 $0x1  }
0x15: {  	[smem:$0x3FB4] =	sst s0;
	s0 =	simm.s32 @!p2 $0x0  }
0x16: {  	s3 =	sld [smem:$0x3FDB];
	s0 =	simm.s32 @p2 $0x1  }
0x17: {  	s4 =	simm.s32 $0x1BF5;
	[smem:$0x3FB6] =	sst s0  }
0x18: {  	s0 =	sld [smem:$0x3F99];
	_ =	swait.ge [sflag:s4], $0x0  }
0x19: {  	s7 =	sld [smem:$0x3F9A]  }
0x1a: {  	s8 =	sadd.s32 $0xFFFFE003, lr  }
0x1b: {  	s9 =	sadd.s32 $0xFFFFFEF7, lr;
	s5 =	simm.s32 $0xFFFFFFFF;
	p2 =	slt.u32 s8, $0xFFFFF086  }
0x1c: {  	p1 =	slt.u32 s9, $0xF7A;
	s5 =	simm.s32 @!p2 $0x0  }
0x1d: {  	s5 =	simm.s32 @p1 $0x1;
	p0 =	seq.s32 s7, s2  }
0x1e: {  	s7 =	smul.u32 @!p0 $0xF7A, s2;
	p2 =	seq.s32 @!p0 s5, $0x0  }
0x1f: {  	s9 =	smul.u32 $0xF7A, s1;
	s8 =	simm.s32 @!p0 $0x1BF5;
	p2 =	por !p2, p0  }
0x20: {  	[sflag:s8] =	ssyncset.s32 @!p0 $0xFFFFF086;
	s6 =	sadd.s32 @!p0 s3, s7;
	s7 =	simm.s32 @!p0 $0x108  }
0x21: {  	s3 =	sadd.s32 s3, s9;
	s6 =	sadd.s32 @!p0 $0x88, s6;
	s7 =	simm.s32 @p2 $0x1082  }
0x22: {  	[simem:s7], [sflag:s8] =	dma.local @!p0 [hbm:s6], $0xF7A  }
0x23: {  	s9 =	sor.u32 $0xD0000000, s2;
	s6 =	simm.s32 $0x108;
	_ =	swait.ge @!p0 [sflag:s8], $0x0  }
0x24: {  	s3 =	sadd.s32 $0x88, s3;
	s6 =	simm.s32 @!p1 $0x1082;
	[sflag:s4] =	ssyncset.s32 $0xFFFFF086  }
0x25: {  	[simem:s6], [sflag:s4] =	dma.local [hbm:s3], $0xF7A  }
0x26: {  	[smem:$0x3F9A] =	sst s1;
	(tag) =	ssettag s2;
	_ =	strace s9  }
0x27: {  	s1 =	sld [smem:$0x3FAA]  }
0x28: {  	s2 =	sld [smem:$0x3FAB]  }
0x29: {  	s4 =	sld [smem:$0x3FAD]  }
0x2a: {  	p0 =	seq.s32 s5, $0x0;
	s5 =	sld [smem:$0x3FAE]  }
0x2b: {  	s6 =	sld [smem:$0x3FAF]  }
0x2c: {  	s7 =	sld [smem:$0x3FB0]  }
0x2d: {  	s3 =	simm.s32 $0x108;
	s8 =	sld [smem:$0x3FB1]  }
0x2e: {  	s3 =	simm.s32 @!p0 $0x1082;
	s9 =	sld [smem:$0x3FB2]  }
0x2f: {  	lr =	sadd.s32 s0, s3;
	s0 =	sld [smem:$0x3FA9]  }
0x30: {  	s3 =	sld [smem:$0x3FAC]  }
0x31: {  	[smem:$0x3FB5] =	sst s10  }
0x32: {  	s10 =	sld [smem:$0x3FB3];
	_ =	sdelay $0x3  }
0x33: {  	p0 =	seq.s32 s10, $0x1;
	s10 =	sld [smem:$0x3FB5];
	_ =	sdelay $0x3  }
0x34: {  	[smem:$0x3FB5] =	sst s10  }
0x35: {  	s10 =	sld [smem:$0x3FB4];
	_ =	sdelay $0x3  }
0x36: {  	p1 =	seq.s32 s10, $0x1;
	s10 =	sld [smem:$0x3FB5];
	_ =	sdelay $0x3  }
0x37: {  	[smem:$0x3FB5] =	sst s10  }
0x38: {  	s10 =	sld [smem:$0x3FB6]  }
0x39: {  	_ = 	snop;
	(pc) =	sbr.ind lr, $3  }
0x3a: {  	_ = 	snop  }
0x3b: {  	_ = 	snop  }
0x3c: {  	p2 =	seq.s32 s10, $0x1;
	s10 =	sld [smem:$0x3FB5]  }
0x3d: {  	_ =	shalt  }
0x3e: {  	_ =	shalt  }
0x3f: {  	_ =	shalt  }
0x40: {  	_ =	shalt  }
0x41: {  	_ =	shalt  }
0x42: {  	_ =	shalt  }
0x43: {  	_ =	shalt  }
0x44: {  	_ =	shalt  }
0x45: {  	_ =	shalt  }
0x46: {  	_ =	shalt  }
0x47: {  	_ =	shalt  }
0x48: {  	_ =	shalt  }
0x49: {  	_ =	shalt  }
0x4a: {  	_ =	shalt  }
0x4b: {  	_ =	shalt  }
0x4c: {  	_ =	shalt  }
0x4d: {  	_ =	shalt  }
0x4e: {  	_ =	shalt  }
0x4f: {  	_ =	shalt  }
0x50: {  	_ =	shalt  }
0x51: {  	_ =	shalt  }
0x52: {  	_ =	shalt  }
0x53: {  	_ =	shalt  }
0x54: {  	_ =	shalt  }
0x55: {  	_ =	shalt  }
0x56: {  	_ =	shalt  }
0x57: {  	_ =	shalt  }
0x58: {  	_ =	shalt  }
0x59: {  	_ =	shalt  }
0x5a: {  	_ =	shalt  }
0x5b: {  	_ =	shalt  }
0x5c: {  	_ =	shalt  }
0x5d: {  	_ =	shalt  }
0x5e: {  	_ =	shalt  }
0x5f: {  	_ =	shalt  }
0x60: {  	_ =	shalt  }
0x61: {  	_ =	shalt  }
0x62: {  	_ =	shalt  }
0x63: {  	_ =	shalt  }
0x64: {  	_ =	shalt  }
0x65: {  	_ =	shalt  }
0x66: {  	_ =	shalt  }
0x67: {  	_ =	shalt  }
0x68: {  	_ =	shalt  }
0x69: {  	_ =	shalt  }
0x6a: {  	_ =	shalt  }
0x6b: {  	_ =	shalt  }
0x6c: {  	_ =	shalt  }
0x6d: {  	_ =	shalt  }
0x6e: {  	_ =	shalt  }
0x6f: {  	_ =	shalt  }
0x70: {  	_ =	shalt  }
0x71: {  	_ =	shalt  }
0x72: {  	_ =	shalt  }
0x73: {  	_ =	shalt  }
0x74: {  	_ =	shalt  }
0x75: {  	_ =	shalt  }
0x76: {  	_ =	shalt  }
0x77: {  	_ =	shalt  }
0x78: {  	_ =	shalt  }
0x79: {  	_ =	shalt  }
0x7a: {  	_ =	shalt  }
0x7b: {  	_ =	shalt  }
0x7c: {  	_ =	shalt  }
0x7d: {  	_ =	shalt  }
0x7e: {  	_ =	shalt  }
0x7f: {  	_ =	shalt  }
0x80: {  	_ =	shalt  }
0x81: {  	_ =	shalt  }
0x82: {  	_ =	shalt  }
0x83: {  	_ =	shalt  }
0x84: {  	_ =	shalt  }
0x85: {  	_ =	shalt  }
0x86: {  	_ =	shalt  }
0x87: {  	_ =	shalt  }
.Lfunc_end0:
.L_simem_size_0:
called_computation_lowered:
.L_overlay_start_0:
0x88: {  	s2 =	sld [smem:$0x3FD9]  }
0x89: {  	s3 =	sld [smem:$0x3FFE];
	_ =	sdelay $0x1  }
0x8a: {  	s1 =	srdreg.scid  }
0x8b: {  	s0 =	sand.u32 $0x1, s1  }
0x8c: {  	s17 =	sshll.u32 s0, $0xA;
	s2 =	sadd.s32 s3, s2  }
0x8d: {  	s2 =	sadd.s32 s2, s17  }
0x8e: {  	[smem:$0x3FC1] =	sst s2  }
0x8f: {  	_ = 	snop  }
0x90: {  	s2 =	sld [smem:$0x3FC9]  }
0x91: {  	s18 =	sld [smem:$0x3FD0];
	(tm) =	ssettm $0x1  }
0x92: {  	s4 =	sld [smem:$0x3FFB];
	_ =	sdelay $0x3  }
0x93: {  	_ =	strace s4  }
0x94: {  	s4 =	sld [smem:$0x3FFC];
	_ =	sdelay $0x3  }
0x95: {  	_ =	strace s4  }
0x96: {  	s4 =	sld [smem:$0x3FFD];
	_ =	sdelay $0x3  }
0x97: {  	_ =	strace s4  }
0x98: {  	_ =	strace $0x8FFFFFFF  }
0x99: {  	s19 =	sld [smem:$0x3FDB];
	_ =	sdelay $0x1  }
0x9a: {  	s5 =	simm.s32 $_scs_section_size  }
0x9b: {  	s6 =	simm.s32 $_size__tile_overlayer_lowered;
	s7 =	simm.s32 $_tile_overlayer_lowered  }
0x9c: {  	s22 =	simm.s32 $0x1BFF;
	s21 =	sshll.u32 s7, $0x1;
	s4 =	sadd.s32 s5, s19  }
0x9d: {  	s8 =	simm.s32 $0x0;
	s20 =	sshll.u32 s6, $0x1;
	s6 =	sadd.s32 s21, s4  }
0x9e: {  	[timem:s8], [sflag:s22] =	dma.local [hbm:s6], s20  }
0x9f: {  	_ =	swait.ge [sflag:s22], s20  }
0xa0: {  	s5 =	ssub.s32 $0x0, s20;
	[sflag:s22] =	ssyncset.done $0x0  }
0xa1: {  	[sflag:s22] =	ssyncadd.s32 s5;
	_ =	sdelay $0x1  }
0xa2: {  	s23 =	simm.s32 $0x1B8B  }
0xa3: {  	_ =	swait.ge [sflag:s23], $0x1  }
0xa4: {  	[sflag:s23] =	ssyncset.done $0x0  }
0xa5: {  	s25 =	simm.s32 $0x1B8E;
	s24 =	sld [smem:$0x3FFE];
	[sflag:s23] =	ssyncadd.s32 $0xFFFFFFFF  }
0xa6: {  	s26 =	simm.s32 $execute0_lowered;
	[smem:$0x3FD2] =	sst s25  }
0xa7: {  	s6 =	sshll.u32 s26, $0x1;
	_ =	strace $0x80000046;
	[dreg:$0x1] =	wrdreg $0xFFFFFFFF  }
0xa8: {  	s28 =	simm.s32 $_size_execute0_lowered;
	s4 =	sadd.s32 s4, s6;
	[dreg:$0x0] =	wrdreg $0x0  }
0xa9: {  	s6 =	sshll.u32 s28, $0x1;
	[dreg:$0x2] =	wrdreg s4  }
0xaa: {  	[dreg:$0x3] =	wrdreg s6  }
0xab: {  	[dreg:$0x4] =	wrdreg $0xC0  }
0xac: {  	_ =	task [dreg:s8], $0x5FFFF  }
0xad: {  	[dreg:$0x1] =	wrdreg $0xFFFFFFFF  }
0xae: {  	[dreg:$0x0] =	wrdreg $0x60  }
0xaf: {  	[dreg:$0x2] =	wrdreg s2  }
0xb0: {  	[dreg:$0x3] =	wrdreg s24  }
0xb1: {  	[dreg:$0x4] =	wrdreg s18  }
0xb2: {  	[dreg:$0x5] =	wrdreg $0x8C400  }
0xb3: {  	[dreg:$0x6] =	wrdreg $0x1C8400  }
0xb4: {  	[dreg:$0x7] =	wrdreg $0x9  }
0xb5: {  	_ =	task.clear_ibuf [dreg:s8], $0x8FFFF;
	_ =	strace $0x90000046  }
0xb6: {  	s29 =	simm.s32 $0x9;
	_ =	strace $0x80000048  }
0xb7: {  	_ =	swait.ge [sflag:s29], $0x1  }
0xb8: {  	[sflag:s29] =	ssyncadd.s32 $0xFFFFFFFF  }
0xb9: {  	_ =	strace $0x90000048  }
0xba: {  	_ =	sfence  }
0xbb: {  	s30 =	sld [smem:$0x0];
	_ =	sdelay $0x2  }
0xbc: {  	s31 =	sshll.u32 s1, $0xD;
	s1 =	sshrl.u32 s1, $0x2  }
0xbd: {  	s3 =	sand.u32 $0x4000, s31;
	s1 =	sadd.s32 s1, s30  }
0xbe: {  	s0 =	sor.u32 s3, s0;
	s1 =	sshll.u32 s1, $0x11  }
0xbf: {  	s0 =	sor.u32 s1, s0  }
0xc0: {  	s0 =	sadd.s32 $0x8F2B, s0  }
0xc1: {  	[sflag:s0] =	ssyncadd.remote.s32 $0x1  }
0xc2: {  	_ =	sfence.sel $0xFFFF  }
0xc3: {  	[dreg:$0x0] =	wrdreg $0xFFFFFFFF;
	(pc) =	sbr.abs _section_cstart, $3  }
0xc4: {  	[dreg:$0x1] =	wrdreg $0xFFFFFFFF  }
0xc5: {  	_ =	task.clear_ibuf [dreg:s8], $0x2FFFF;
	_ =	strace $0x9FFFFFFF  }
0xc6: {  	(tm) =	ssettm $0x7FFFFFFF  }
0xc7: {  	_ =	shalt  }
tec
execute0_lowered:
.L_overlay_start_1:
0x0: {  	(tag) =	ssettag $0x1  }
0x1: {  	s1 =	rddreg [dreg:$0x0]  }
0x2: {  	s0 =	rddreg [dreg:$0x1]  }
0x3: {  	s2 =	rddreg [dreg:$0x2];
	s4 =	srdreg.scid  }
0x4: {  	s17 =	stileid.u32;
	s3 =	rddreg [dreg:$0x3];
	s19 =	simm.s32 $0x8840  }
0x5: {  	s20 =	simm.s32 $0x40;
	s21 =	simm.s32 $0x8740;
	s22 =	simm.s32 $0x2740  }
0x6: {  	s28 =	simm.s32 $0x1;
	s29 =	simm.s32 $0x8800;
	s30 =	simm.s32 $0x2  }
0x7: {  	s31 =	simm.s32 $0x3;
	s9 =	sand.u32 $0x1, s4;
	s5 =	sshll.u32 s17, $0x1  }
0x8: {  	s4 =	rddreg [dreg:$0x4];
	s10 =	smul.u32 $0x13C00, s17;
	s7 =	sadd.s32 $0xAC00, s0  }
0x9: {  	s8 =	sadd.s32 $0xAA00, s0;
	s14 =	smul.u32 $0x2780, s17;
	s23 =	sshll.u32 s17, $0x6  }
0xa: {  	s6 =	sor.u32 s9, s5;
	s5 =	simm.s32 $0x0;
	s12 =	smul.u32 $0x13C000, s9  }
0xb: {  	s13 =	ssub.s32 $0x2, s9;
	s16 =	smul.u32 $0x27800, s9;
	s9 =	sor.u32 $0x1C04, s23  }
0xc: {  	s23 =	simm.s32 $0x8780;
	s6 =	smul.u32 $0x274, s6;
	[smem:$0x7FF] =	sst s5  }
0xd: {  	s15 =	sshrl.u32 s13, $0x1;
	s24 =	sadd.s32 s10, s3;
	s18 =	sadd.s32 s14, s4  }
0xe: {  	_ =	strace $0x80000047;
	s12 =	sadd.s32 s10, s12;
	s15 =	ssub.s32 s13, s15  }
0xf: {  	s25 =	sadd.s32 s14, s16;
	s16 =	simm.s32 $0x4;
	s17 =	sshrl.u32 s18, $0x3  }
0x10: {  	s11 =	sadd.s32 s6, s0;
	s6 =	sadd.s32 $0xB200, s0;
	s12 =	sshrl.u32 s12, $0x3  }
0x11: {  	s26 =	sshrl.u32 s25, $0x3;
	s14 =	smax.u32 s15, $0x1;
	s15 =	sshrl.u32 s24, $0x3  }
0x12: {  	s24 =	simm.s32 $0x4740;
	s25 =	simm.s32 $0x87C0;
	s0 =	sadd.s32 s12, s0  }
0x13: {  	s10 =	sadd.s32 $0x5A00, s11;
	s11 =	sadd.s32 $0xA00, s11;
	s13 =	sadd.s32 s2, s26  }
0x14: {  	s26 =	simm.s32 $0x6740;
	s2 =	simm.s32 $0x0;
	s12 =	sadd.s32 $0xDA00, s0  }
.LBB2_1:
0x15: {  	[spmem:s15], [sflag:s9] =	dma.local [hbm:s6], $0x2780  }
0x16: {  	_ =	swait.ge [sflag:s16], $0x2780  }
0x17: {  	[sflag:s16] =	ssyncset.done $0x0  }
0x18: {  	[sflag:s16] =	ssyncadd.s32 $0xFFFFD880  }
0x19: {  	[spmem:s17], [sflag:s9] =	dma.local [hbm:s7], $0x4F0  }
0x1a: {  	_ =	swait.ge [sflag:s16], $0x4F0  }
0x1b: {  	[sflag:s16] =	ssyncset.done $0x0  }
0x1c: {  	[sflag:s16] =	ssyncadd.s32 $0xFFFFFB10  }
0x1d: {  	[tilespmem:s5], [sflag:$0x4] =	stream.linear.gather [hbm4b:s10+s5], $0x13A0, $0x38;
	[tilespmem:$0x1EFC0] =	vst v63  }
0x1e: {  	_ =	swait.ge [sflag:s16], $0x13A0  }
0x1f: {  	[sflag:s16] =	ssyncset.done $0x0  }
0x20: {  	s0 =	simm.s32 $0x13A0;
	[sflag:s16] =	ssyncadd.s32 $0xFFFFEC60  }
0x21: {  	[tilespmem:s0], [sflag:$0x4] =	stream.linear.gather [hbm4b:s11+s5], $0x13A0, $0x38;
	[tilespmem:$0x1EFC0] =	vst v63  }
0x22: {  	_ =	swait.ge [sflag:s16], $0x13A0  }
0x23: {  	[sflag:s16] =	ssyncset.done $0x0  }
0x24: {  	[sflag:s16] =	ssyncadd.s32 $0xFFFFEC60  }
0x25: {  	[tilespmem:s19], [sflag:$0x4] =	stream.linear.gather [hbm4b:s8+s5], $0x400, $0x38;
	[tilespmem:$0x1EFC0] =	vst v63  }
0x26: {  	_ =	swait.ge [sflag:s16], $0x400  }
0x27: {  	[sflag:s16] =	ssyncset.done $0x0  }
0x28: {  	[sflag:s16] =	ssyncadd.s32 $0xFFFFFC00  }
0x29: {  	[bflag:$0x0] =	sbarrier.arrive $0xFFFF  }
0x2a: {  	v0 =	vld [tilespmem:$0x0];
	_ =	sdelay $0x1  }
0x2b: {  	v1 =	vld [tilespmem:$0x10];
	_ =	sdelay $0x2  }
0x2c: {  	v2 =	vand.u32 $0xFFFF, v0  }
0x2d: {  	v0 =	vshrl.u32 v0, $0x10;
	[tilespmem:$0x8740] =	vst v2  }
0x2e: {  	[tilespmem:$0x8750] =	vst v0;
	v0 =	vand.u32 $0xFFFF, v1  }
0x2f: {  	[tilespmem:$0x8760] =	vst v0;
	v0 =	vshrl.u32 v1, $0x10  }
0x30: {  	[tilespmem:$0x8770] =	vst v0  }
0x31: {  	[tilespmem:s22], [sflag:$0x1] =	stream.indirect.gather [hbm4b:s1+s20], $0x80, s21, s20, $0xb8;
	[tilespmem:$0x1EFC0] =	vst v63  }
0x32: {  	v0 =	vld [tilespmem:$0x20];
	_ =	sdelay $0x1  }
0x33: {  	v1 =	vld [tilespmem:$0x30];
	_ =	sdelay $0x2  }
0x34: {  	v2 =	vand.u32 $0xFFFF, v0  }
0x35: {  	v0 =	vshrl.u32 v0, $0x10;
	[tilespmem:$0x8780] =	vst v2  }
0x36: {  	[tilespmem:$0x8790] =	vst v0;
	v0 =	vand.u32 $0xFFFF, v1  }
0x37: {  	[tilespmem:$0x87A0] =	vst v0;
	v0 =	vshrl.u32 v1, $0x10  }
0x38: {  	s18 =	simm.s32 $0x0;
	[tilespmem:$0x87B0] =	vst v0  }
0x39: {  	[tilespmem:s24], [sflag:$0x2] =	stream.indirect.gather [hbm4b:s1+s20], $0x80, s23, s20, $0xb8;
	[tilespmem:$0x1EFC0] =	vst v63  }
0x3a: {  	v0 =	vld [tilespmem:s18+$0x40];
	_ =	sdelay $0x4  }
0x3b: {  	v1 =	vand.u32 $0xFFFF, v0  }
0x3c: {  	v0 =	vshrl.u32 v0, $0x10;
	[tilespmem:$0x87C0] =	vst v1  }
0x3d: {  	[tilespmem:$0x87D0] =	vst v0  }
0x3e: {  	v0 =	vld [tilespmem:s18+$0x50];
	_ =	sdelay $0x4  }
0x3f: {  	v1 =	vand.u32 $0xFFFF, v0  }
0x40: {  	v0 =	vshrl.u32 v0, $0x10;
	[tilespmem:$0x87E0] =	vst v1  }
0x41: {  	[tilespmem:$0x87F0] =	vst v0  }
0x42: {  	[tilespmem:s26], [sflag:$0x3] =	stream.indirect.gather [hbm4b:s1+s20], $0x80, s25, s20, $0xb8;
	[tilespmem:$0x1EFC0] =	vst v63  }
0x43: {  	_ =	swait.ge [sflag:s28], $0x2000  }
0x44: {  	[sflag:s28] =	ssyncset.done $0x0  }
0x45: {  	[sflag:s28] =	ssyncadd.s32 $0xFFFFE000  }
0x46: {  	v0 =	vld [tilespmem:s18+$0x13A0];
	_ =	sdelay $0x4  }
0x47: {  	v1 =	vand.u32 $0xFFFF, v0  }
0x48: {  	v0 =	vshrl.u32 v0, $0x10;
	[tilespmem:$0x8800] =	vst v1  }
0x49: {  	[tilespmem:$0x8810] =	vst v0  }
0x4a: {  	v0 =	vld [tilespmem:s18+$0x13B0];
	_ =	sdelay $0x4  }
0x4b: {  	v1 =	vand.u32 $0xFFFF, v0  }
0x4c: {  	v0 =	vshrl.u32 v0, $0x10;
	[tilespmem:$0x8820] =	vst v1  }
0x4d: {  	[tilespmem:$0x8830] =	vst v0  }
0x4e: {  	[spmem:s3] =	stream.indirect.scatter.add.f32 [tilespmem:s22], [sflag:$0x4], $0x80, s29, s20, $0xb8;
	[tilespmem:$0x1EFC0] =	vst v63  }
0x4f: {  	_ =	swait.ge [sflag:s16], $0x2000  }
0x50: {  	[sflag:s16] =	ssyncset.done $0x0  }
0x51: {  	[sflag:s16] =	ssyncadd.s32 $0xFFFFE000  }
0x52: {  	[spmem:s4] =	stream.indirect.scatter.add.f32 [tilespmem:s19], [sflag:$0x4], $0x10, s29, s20, $0xb8;
	[tilespmem:$0x1EFC0] =	vst v63  }
0x53: {  	_ =	swait.ge [sflag:s16], $0x400  }
0x54: {  	[sflag:s16] =	ssyncset.done $0x0  }
0x55: {  	[sflag:s16] =	ssyncadd.s32 $0xFFFFFC00  }
0x56: {  	v0 =	vld [tilespmem:s18+$0x60];
	_ =	sdelay $0x4  }
0x57: {  	v1 =	vand.u32 $0xFFFF, v0  }
0x58: {  	v0 =	vshrl.u32 v0, $0x10;
	[tilespmem:$0x8740] =	vst v1  }
0x59: {  	[tilespmem:$0x8750] =	vst v0  }
0x5a: {  	v0 =	vld [tilespmem:s18+$0x70];
	_ =	sdelay $0x4  }
0x5b: {  	v1 =	vand.u32 $0xFFFF, v0  }
0x5c: {  	v0 =	vshrl.u32 v0, $0x10;
	[tilespmem:$0x8760] =	vst v1  }
0x5d: {  	[tilespmem:$0x8770] =	vst v0  }
0x5e: {  	[tilespmem:s22], [sflag:$0x1] =	stream.indirect.gather [hbm4b:s1+s20], $0x80, s21, s20, $0xb8;
	[tilespmem:$0x1EFC0] =	vst v63  }
0x5f: {  	_ =	swait.ge [sflag:s30], $0x2000  }
0x60: {  	[sflag:s30] =	ssyncset.done $0x0  }
0x61: {  	[sflag:s30] =	ssyncadd.s32 $0xFFFFE000  }
0x62: {  	v0 =	vld [tilespmem:s18+$0x13C0];
	_ =	sdelay $0x4  }
0x63: {  	v1 =	vand.u32 $0xFFFF, v0  }
0x64: {  	v0 =	vshrl.u32 v0, $0x10;
	[tilespmem:$0x8800] =	vst v1  }
0x65: {  	[tilespmem:$0x8810] =	vst v0  }
0x66: {  	v0 =	vld [tilespmem:s18+$0x13D0];
	_ =	sdelay $0x4  }
0x67: {  	v1 =	vand.u32 $0xFFFF, v0  }
0x68: {  	v0 =	vshrl.u32 v0, $0x10;
	[tilespmem:$0x8820] =	vst v1  }
0x69: {  	[tilespmem:$0x8830] =	vst v0  }
0x6a: {  	[spmem:s3] =	stream.indirect.scatter.add.f32 [tilespmem:s24], [sflag:$0x4], $0x80, s29, s20, $0xb8;
	[tilespmem:$0x1EFC0] =	vst v63  }
0x6b: {  	_ =	swait.ge [sflag:s16], $0x2000  }
0x6c: {  	[sflag:s16] =	ssyncset.done $0x0  }
0x6d: {  	[sflag:s16] =	ssyncadd.s32 $0xFFFFE000  }
0x6e: {  	[spmem:s4] =	stream.indirect.scatter.add.f32 [tilespmem:s19], [sflag:$0x4], $0x10, s29, s20, $0xb8;
	[tilespmem:$0x1EFC0] =	vst v63  }
0x6f: {  	_ =	swait.ge [sflag:s16], $0x400  }
0x70: {  	[sflag:s16] =	ssyncset.done $0x0  }
0x71: {  	[sflag:s16] =	ssyncadd.s32 $0xFFFFFC00  }
0x72: {  	v0 =	vld [tilespmem:s18+$0x80];
	_ =	sdelay $0x4  }
0x73: {  	v1 =	vand.u32 $0xFFFF, v0  }
0x74: {  	v0 =	vshrl.u32 v0, $0x10;
	[tilespmem:$0x8780] =	vst v1  }
0x75: {  	[tilespmem:$0x8790] =	vst v0  }
0x76: {  	v0 =	vld [tilespmem:s18+$0x90];
	_ =	sdelay $0x4  }
0x77: {  	v1 =	vand.u32 $0xFFFF, v0  }
0x78: {  	v0 =	vshrl.u32 v0, $0x10;
	[tilespmem:$0x87A0] =	vst v1  }
0x79: {  	[tilespmem:$0x87B0] =	vst v0  }
0x7a: {  	[tilespmem:s24], [sflag:$0x2] =	stream.indirect.gather [hbm4b:s1+s20], $0x80, s23, s20, $0xb8;
	[tilespmem:$0x1EFC0] =	vst v63  }
0x7b: {  	_ =	swait.ge [sflag:s31], $0x2000  }
0x7c: {  	[sflag:s31] =	ssyncset.done $0x0  }
0x7d: {  	[sflag:s31] =	ssyncadd.s32 $0xFFFFE000  }
0x7e: {  	v0 =	vld [tilespmem:s18+$0x13E0];
	_ =	sdelay $0x4  }
0x7f: {  	v1 =	vand.u32 $0xFFFF, v0  }
0x80: {  	v0 =	vshrl.u32 v0, $0x10;
	[tilespmem:$0x8800] =	vst v1  }
0x81: {  	[tilespmem:$0x8810] =	vst v0  }
0x82: {  	s0 =	simm.s32 $0x180;
	v0 =	vld [tilespmem:s18+$0x13F0]  }
.LBB2_2:
0x83: {  	_ =	sdelay $0x1  }
0x84: {  	p0 =	sne.s32 s0, $0x4B00;
	s18 =	smov.u32 s0;
	s0 =	sadd.s32 $0x180, s0  }
0x85: {  	_ = 	snop  }
0x86: {  	v1 =	vand.u32 $0xFFFF, v0;
	v0 =	vshrl.u32 v0, $0x10  }
0x87: {  	[tilespmem:$0x8820] =	vst v1  }
0x88: {  	[tilespmem:$0x8830] =	vst v0  }
0x89: {  	[spmem:s3] =	stream.indirect.scatter.add.f32 [tilespmem:s26], [sflag:$0x4], $0x80, s29, s20, $0xb8;
	[tilespmem:$0x1EFC0] =	vst v63  }
0x8a: {  	_ =	swait.ge [sflag:s16], $0x2000  }
0x8b: {  	[sflag:s16] =	ssyncset.done $0x0  }
0x8c: {  	[sflag:s16] =	ssyncadd.s32 $0xFFFFE000  }
0x8d: {  	[spmem:s4] =	stream.indirect.scatter.add.f32 [tilespmem:s19], [sflag:$0x4], $0x10, s29, s20, $0xb8;
	[tilespmem:$0x1EFC0] =	vst v63  }
0x8e: {  	_ =	swait.ge [sflag:s16], $0x400  }
0x8f: {  	[sflag:s16] =	ssyncset.done $0x0  }
0x90: {  	s18 =	sshra.s32 s18, $0x2;
	[sflag:s16] =	ssyncadd.s32 $0xFFFFFC00  }
0x91: {  	v0 =	vld [tilespmem:s18+$0x40];
	_ =	sdelay $0x4  }
0x92: {  	v1 =	vand.u32 $0xFFFF, v0;
	v0 =	vshrl.u32 v0, $0x10  }
0x93: {  	[tilespmem:$0x87C0] =	vst v1  }
0x94: {  	[tilespmem:$0x87D0] =	vst v0  }
0x95: {  	v0 =	vld [tilespmem:s18+$0x50];
	_ =	sdelay $0x4  }
0x96: {  	v1 =	vand.u32 $0xFFFF, v0;
	v0 =	vshrl.u32 v0, $0x10  }
0x97: {  	[tilespmem:$0x87E0] =	vst v1  }
0x98: {  	[tilespmem:$0x87F0] =	vst v0  }
0x99: {  	[tilespmem:s26], [sflag:$0x3] =	stream.indirect.gather [hbm4b:s1+s20], $0x80, s25, s20, $0xb8;
	[tilespmem:$0x1EFC0] =	vst v63  }
0x9a: {  	_ =	swait.ge [sflag:s28], $0x2000  }
0x9b: {  	[sflag:s28] =	ssyncset.done $0x0  }
0x9c: {  	[sflag:s28] =	ssyncadd.s32 $0xFFFFE000  }
0x9d: {  	v0 =	vld [tilespmem:s18+$0x13A0];
	_ =	sdelay $0x4  }
0x9e: {  	v1 =	vand.u32 $0xFFFF, v0;
	v0 =	vshrl.u32 v0, $0x10  }
0x9f: {  	[tilespmem:$0x8800] =	vst v1  }
0xa0: {  	[tilespmem:$0x8810] =	vst v0  }
0xa1: {  	v0 =	vld [tilespmem:s18+$0x13B0];
	_ =	sdelay $0x4  }
0xa2: {  	v1 =	vand.u32 $0xFFFF, v0;
	v0 =	vshrl.u32 v0, $0x10  }
0xa3: {  	[tilespmem:$0x8820] =	vst v1  }
0xa4: {  	[tilespmem:$0x8830] =	vst v0  }
0xa5: {  	[spmem:s3] =	stream.indirect.scatter.add.f32 [tilespmem:s22], [sflag:$0x4], $0x80, s29, s20, $0xb8;
	[tilespmem:$0x1EFC0] =	vst v63  }
0xa6: {  	_ =	swait.ge [sflag:s16], $0x2000  }
0xa7: {  	[sflag:s16] =	ssyncset.done $0x0  }
0xa8: {  	[sflag:s16] =	ssyncadd.s32 $0xFFFFE000  }
0xa9: {  	[spmem:s4] =	stream.indirect.scatter.add.f32 [tilespmem:s19], [sflag:$0x4], $0x10, s29, s20, $0xb8;
	[tilespmem:$0x1EFC0] =	vst v63  }
0xaa: {  	_ =	swait.ge [sflag:s16], $0x400  }
0xab: {  	[sflag:s16] =	ssyncset.done $0x0  }
0xac: {  	[sflag:s16] =	ssyncadd.s32 $0xFFFFFC00  }
0xad: {  	v0 =	vld [tilespmem:s18+$0x60];
	_ =	sdelay $0x4  }
0xae: {  	v1 =	vand.u32 $0xFFFF, v0;
	v0 =	vshrl.u32 v0, $0x10  }
0xaf: {  	[tilespmem:$0x8740] =	vst v1  }
0xb0: {  	[tilespmem:$0x8750] =	vst v0  }
0xb1: {  	v0 =	vld [tilespmem:s18+$0x70];
	_ =	sdelay $0x4  }
0xb2: {  	v1 =	vand.u32 $0xFFFF, v0;
	v0 =	vshrl.u32 v0, $0x10  }
0xb3: {  	[tilespmem:$0x8760] =	vst v1  }
0xb4: {  	[tilespmem:$0x8770] =	vst v0  }
0xb5: {  	[tilespmem:s22], [sflag:$0x1] =	stream.indirect.gather [hbm4b:s1+s20], $0x80, s21, s20, $0xb8;
	[tilespmem:$0x1EFC0] =	vst v63  }
0xb6: {  	_ =	swait.ge [sflag:s30], $0x2000  }
0xb7: {  	[sflag:s30] =	ssyncset.done $0x0  }
0xb8: {  	[sflag:s30] =	ssyncadd.s32 $0xFFFFE000  }
0xb9: {  	v0 =	vld [tilespmem:s18+$0x13C0];
	_ =	sdelay $0x4  }
0xba: {  	v1 =	vand.u32 $0xFFFF, v0;
	v0 =	vshrl.u32 v0, $0x10  }
0xbb: {  	[tilespmem:$0x8800] =	vst v1  }
0xbc: {  	[tilespmem:$0x8810] =	vst v0  }
0xbd: {  	v0 =	vld [tilespmem:s18+$0x13D0];
	_ =	sdelay $0x4  }
0xbe: {  	v1 =	vand.u32 $0xFFFF, v0;
	v0 =	vshrl.u32 v0, $0x10  }
0xbf: {  	[tilespmem:$0x8820] =	vst v1  }
0xc0: {  	[tilespmem:$0x8830] =	vst v0  }
0xc1: {  	[spmem:s3] =	stream.indirect.scatter.add.f32 [tilespmem:s24], [sflag:$0x4], $0x80, s29, s20, $0xb8;
	[tilespmem:$0x1EFC0] =	vst v63  }
0xc2: {  	_ =	swait.ge [sflag:s16], $0x2000  }
0xc3: {  	[sflag:s16] =	ssyncset.done $0x0  }
0xc4: {  	[sflag:s16] =	ssyncadd.s32 $0xFFFFE000  }
0xc5: {  	[spmem:s4] =	stream.indirect.scatter.add.f32 [tilespmem:s19], [sflag:$0x4], $0x10, s29, s20, $0xb8;
	[tilespmem:$0x1EFC0] =	vst v63  }
0xc6: {  	_ =	swait.ge [sflag:s16], $0x400  }
0xc7: {  	[sflag:s16] =	ssyncset.done $0x0  }
0xc8: {  	[sflag:s16] =	ssyncadd.s32 $0xFFFFFC00  }
0xc9: {  	v0 =	vld [tilespmem:s18+$0x80];
	_ =	sdelay $0x4  }
0xca: {  	v1 =	vand.u32 $0xFFFF, v0;
	v0 =	vshrl.u32 v0, $0x10  }
0xcb: {  	[tilespmem:$0x8780] =	vst v1  }
0xcc: {  	[tilespmem:$0x8790] =	vst v0  }
0xcd: {  	v0 =	vld [tilespmem:s18+$0x90];
	_ =	sdelay $0x4  }
0xce: {  	v1 =	vand.u32 $0xFFFF, v0;
	v0 =	vshrl.u32 v0, $0x10  }
0xcf: {  	[tilespmem:$0x87A0] =	vst v1  }
0xd0: {  	[tilespmem:$0x87B0] =	vst v0  }
0xd1: {  	[tilespmem:s24], [sflag:$0x2] =	stream.indirect.gather [hbm4b:s1+s20], $0x80, s23, s20, $0xb8;
	[tilespmem:$0x1EFC0] =	vst v63  }
0xd2: {  	_ =	swait.ge [sflag:s31], $0x2000  }
0xd3: {  	[sflag:s31] =	ssyncset.done $0x0  }
0xd4: {  	[sflag:s31] =	ssyncadd.s32 $0xFFFFE000  }
0xd5: {  	v0 =	vld [tilespmem:s18+$0x13E0];
	_ =	sdelay $0x3  }
.Ltmp0:
0xd6: {  	(pc) =	sbr.rel @p0 .LBB2_2-.Ltmp0, $4  }
0xd7: {  	v1 =	vand.u32 $0xFFFF, v0;
	v0 =	vshrl.u32 v0, $0x10  }
0xd8: {  	[tilespmem:$0x8800] =	vst v1  }
0xd9: {  	[tilespmem:$0x8810] =	vst v0  }
0xda: {  	v0 =	vld [tilespmem:s18+$0x13F0]  }
0xdb: {  	_ =	sdelay $0x3  }
0xdc: {  	v1 =	vand.u32 $0xFFFF, v0  }
0xdd: {  	v34 =	vshrl.u32 v0, $0x10;
	[tilespmem:$0x8820] =	vst v1  }
0xde: {  	[tilespmem:$0x8830] =	vst v34  }
0xdf: {  	[spmem:s3] =	stream.indirect.scatter.add.f32 [tilespmem:s26], [sflag:$0x4], $0x80, s29, s20, $0xb8;
	[tilespmem:$0x1EFC0] =	vst v63  }
0xe0: {  	_ =	swait.ge [sflag:s16], $0x2000  }
0xe1: {  	[sflag:s16] =	ssyncset.done $0x0  }
0xe2: {  	[sflag:s16] =	ssyncadd.s32 $0xFFFFE000  }
0xe3: {  	[spmem:s4] =	stream.indirect.scatter.add.f32 [tilespmem:s19], [sflag:$0x4], $0x10, s29, s20, $0xb8;
	[tilespmem:$0x1EFC0] =	vst v63  }
0xe4: {  	_ =	swait.ge [sflag:s16], $0x400  }
0xe5: {  	[sflag:s16] =	ssyncset.done $0x0  }
0xe6: {  	[sflag:s16] =	ssyncadd.s32 $0xFFFFFC00  }
0xe7: {  	v35 =	vld [tilespmem:$0x1360];
	_ =	sdelay $0x1  }
0xe8: {  	v36 =	vld [tilespmem:$0x1370];
	_ =	sdelay $0x2  }
0xe9: {  	v2 =	vand.u32 $0xFFFF, v35  }
0xea: {  	v0 =	vshrl.u32 v35, $0x10;
	[tilespmem:$0x87C0] =	vst v2  }
0xeb: {  	v37 =	vand.u32 $0xFFFF, v36;
	[tilespmem:$0x87D0] =	vst v0  }
0xec: {  	v38 =	vshrl.u32 v36, $0x10;
	[tilespmem:$0x87E0] =	vst v37  }
0xed: {  	[tilespmem:$0x87F0] =	vst v38  }
0xee: {  	[tilespmem:s26], [sflag:$0x3] =	stream.indirect.gather [hbm4b:s1+s20], $0x80, s25, s20, $0xb8;
	[tilespmem:$0x1EFC0] =	vst v63  }
0xef: {  	_ =	swait.ge [sflag:s28], $0x2000  }
0xf0: {  	[sflag:s28] =	ssyncset.done $0x0  }
0xf1: {  	[sflag:s28] =	ssyncadd.s32 $0xFFFFE000  }
0xf2: {  	v39 =	vld [tilespmem:$0x26C0];
	_ =	sdelay $0x1  }
0xf3: {  	v40 =	vld [tilespmem:$0x26D0];
	_ =	sdelay $0x2  }
0xf4: {  	v41 =	vand.u32 $0xFFFF, v39  }
0xf5: {  	v0 =	vshrl.u32 v39, $0x10;
	[tilespmem:$0x8800] =	vst v41  }
0xf6: {  	v42 =	vand.u32 $0xFFFF, v40;
	[tilespmem:$0x8810] =	vst v0  }
0xf7: {  	v43 =	vshrl.u32 v40, $0x10;
	[tilespmem:$0x8820] =	vst v42  }
0xf8: {  	[tilespmem:$0x8830] =	vst v43  }
0xf9: {  	[spmem:s3] =	stream.indirect.scatter.add.f32 [tilespmem:s22], [sflag:$0x4], $0x80, s29, s20, $0xb8;
	[tilespmem:$0x1EFC0] =	vst v63  }
0xfa: {  	_ =	swait.ge [sflag:s16], $0x2000  }
0xfb: {  	[sflag:s16] =	ssyncset.done $0x0  }
0xfc: {  	[sflag:s16] =	ssyncadd.s32 $0xFFFFE000  }
0xfd: {  	[spmem:s4] =	stream.indirect.scatter.add.f32 [tilespmem:s19], [sflag:$0x4], $0x10, s29, s20, $0xb8;
	[tilespmem:$0x1EFC0] =	vst v63  }
0xfe: {  	_ =	swait.ge [sflag:s16], $0x400  }
0xff: {  	[sflag:s16] =	ssyncset.done $0x0  }
0x100: {  	[sflag:s16] =	ssyncadd.s32 $0xFFFFFC00  }
0x101: {  	v44 =	vld [tilespmem:$0x1380];
	_ =	sdelay $0x1  }
0x102: {  	v45 =	vld [tilespmem:$0x1390];
	_ =	sdelay $0x2  }
0x103: {  	v46 =	vand.u32 $0xFFFF, v44  }
0x104: {  	v0 =	vshrl.u32 v44, $0x10;
	[tilespmem:$0x8740] =	vst v46  }
0x105: {  	v47 =	vand.u32 $0xFFFF, v45;
	[tilespmem:$0x8750] =	vst v0  }
0x106: {  	v48 =	vshrl.u32 v45, $0x10;
	[tilespmem:$0x8760] =	vst v47  }
0x107: {  	[tilespmem:$0x8770] =	vst v48  }
0x108: {  	[tilespmem:s22], [sflag:$0x1] =	stream.indirect.gather [hbm4b:s1+s20], $0x80, s21, s20, $0xb8;
	[tilespmem:$0x1EFC0] =	vst v63  }
0x109: {  	_ =	swait.ge [sflag:s30], $0x2000  }
0x10a: {  	[sflag:s30] =	ssyncset.done $0x0  }
0x10b: {  	[sflag:s30] =	ssyncadd.s32 $0xFFFFE000  }
0x10c: {  	v49 =	vld [tilespmem:$0x26E0];
	_ =	sdelay $0x1  }
0x10d: {  	v50 =	vld [tilespmem:$0x26F0];
	_ =	sdelay $0x2  }
0x10e: {  	v51 =	vand.u32 $0xFFFF, v49  }
0x10f: {  	v0 =	vshrl.u32 v49, $0x10;
	[tilespmem:$0x8800] =	vst v51  }
0x110: {  	v52 =	vand.u32 $0xFFFF, v50;
	[tilespmem:$0x8810] =	vst v0  }
0x111: {  	v53 =	vshrl.u32 v50, $0x10;
	[tilespmem:$0x8820] =	vst v52  }
0x112: {  	[tilespmem:$0x8830] =	vst v53  }
0x113: {  	[spmem:s3] =	stream.indirect.scatter.add.f32 [tilespmem:s24], [sflag:$0x4], $0x80, s29, s20, $0xb8;
	[tilespmem:$0x1EFC0] =	vst v63  }
0x114: {  	_ =	swait.ge [sflag:s16], $0x2000  }
0x115: {  	[sflag:s16] =	ssyncset.done $0x0  }
0x116: {  	[sflag:s16] =	ssyncadd.s32 $0xFFFFE000  }
0x117: {  	[spmem:s4] =	stream.indirect.scatter.add.f32 [tilespmem:s19], [sflag:$0x4], $0x10, s29, s20, $0xb8;
	[tilespmem:$0x1EFC0] =	vst v63  }
0x118: {  	_ =	swait.ge [sflag:s16], $0x400  }
0x119: {  	[sflag:s16] =	ssyncset.done $0x0  }
0x11a: {  	[sflag:s16] =	ssyncadd.s32 $0xFFFFFC00  }
0x11b: {  	_ =	swait.ge [sflag:s31], $0x2000  }
0x11c: {  	[sflag:s31] =	ssyncset.done $0x0  }
0x11d: {  	[sflag:s31] =	ssyncadd.s32 $0xFFFFE000  }
0x11e: {  	v54 =	vld [tilespmem:$0x2700];
	_ =	sdelay $0x1  }
0x11f: {  	v55 =	vld [tilespmem:$0x2710];
	_ =	sdelay $0x2  }
0x120: {  	v56 =	vand.u32 $0xFFFF, v54  }
0x121: {  	v0 =	vshrl.u32 v54, $0x10;
	[tilespmem:$0x8800] =	vst v56  }
0x122: {  	v57 =	vand.u32 $0xFFFF, v55;
	[tilespmem:$0x8810] =	vst v0  }
0x123: {  	v58 =	vshrl.u32 v55, $0x10;
	[tilespmem:$0x8820] =	vst v57  }
0x124: {  	[tilespmem:$0x8830] =	vst v58  }
0x125: {  	[spmem:s3] =	stream.indirect.scatter.add.f32 [tilespmem:s26], [sflag:$0x4], $0x80, s29, s20, $0xb8;
	[tilespmem:$0x1EFC0] =	vst v63  }
0x126: {  	_ =	swait.ge [sflag:s16], $0x2000  }
0x127: {  	[sflag:s16] =	ssyncset.done $0x0  }
0x128: {  	[sflag:s16] =	ssyncadd.s32 $0xFFFFE000  }
0x129: {  	[spmem:s4] =	stream.indirect.scatter.add.f32 [tilespmem:s19], [sflag:$0x4], $0x10, s29, s20, $0xb8;
	[tilespmem:$0x1EFC0] =	vst v63  }
0x12a: {  	_ =	swait.ge [sflag:s16], $0x400  }
0x12b: {  	[sflag:s16] =	ssyncset.done $0x0  }
0x12c: {  	[sflag:s16] =	ssyncadd.s32 $0xFFFFFC00  }
0x12d: {  	_ =	swait.ge [sflag:s28], $0x2000  }
0x12e: {  	[sflag:s28] =	ssyncset.done $0x0  }
0x12f: {  	[sflag:s28] =	ssyncadd.s32 $0xFFFFE000  }
0x130: {  	v59 =	vld [tilespmem:$0x2720];
	_ =	sdelay $0x1  }
0x131: {  	v60 =	vld [tilespmem:$0x2730];
	_ =	sdelay $0x2  }
0x132: {  	v61 =	vand.u32 $0xFFFF, v59  }
0x133: {  	v0 =	vshrl.u32 v59, $0x10;
	[tilespmem:$0x8800] =	vst v61  }
0x134: {  	v62 =	vand.u32 $0xFFFF, v60;
	[tilespmem:$0x8810] =	vst v0  }
0x135: {  	v63 =	vshrl.u32 v60, $0x10;
	[tilespmem:$0x8820] =	vst v62  }
0x136: {  	[tilespmem:$0x8830] =	vst v63  }
0x137: {  	[spmem:s3] =	stream.indirect.scatter.add.f32 [tilespmem:s22], [sflag:$0x4], $0x80, s29, s20, $0xb8;
	[tilespmem:$0x1EFC0] =	vst v63  }
0x138: {  	_ =	swait.ge [sflag:s16], $0x2000  }
0x139: {  	[sflag:s16] =	ssyncset.done $0x0  }
0x13a: {  	[sflag:s16] =	ssyncadd.s32 $0xFFFFE000  }
0x13b: {  	[spmem:s4] =	stream.indirect.scatter.add.f32 [tilespmem:s19], [sflag:$0x4], $0x10, s29, s20, $0xb8;
	[tilespmem:$0x1EFC0] =	vst v63  }
0x13c: {  	_ =	swait.ge [sflag:s16], $0x400  }
0x13d: {  	[sflag:s16] =	ssyncset.done $0x0  }
0x13e: {  	[sflag:s16] =	ssyncadd.s32 $0xFFFFFC00  }
0x13f: {  	[bflag:$0x0] =	sbarrier.arrive $0xFFFF  }
0x140: {  	[hbm:s12], [sflag:s9] =	dma.local [spmem:s15], $0x2780  }
0x141: {  	s2 =	sadd.s32 $0x1, s2;
	_ =	swait.ge [sflag:s16], $0x2780  }
0x142: {  	p0 =	sne.s32 s2, s14;
	[sflag:s16] =	ssyncset.done $0x0  }
.Ltmp1:
0x143: {  	[sflag:s16] =	ssyncadd.s32 $0xFFFFD880;
	(pc) =	sbr.rel @p0 .LBB2_1-.Ltmp1, $4  }
0x144: {  	[hbm:s13], [sflag:s9] =	dma.local [spmem:s17], $0x4F0  }
0x145: {  	_ =	swait.ge [sflag:s16], $0x4F0  }
0x146: {  	[sflag:s16] =	ssyncset.done $0x0  }
0x147: {  	[sflag:s16] =	ssyncadd.s32 $0xFFFFFB10  }
0x148: {  	_ =	sfence.sel $0x180000  }
0x149: {  	[bflag:$0x0] =	sbarrier.arrive $0xFFFF  }
0x14a: {  	_ =	strace $0x90000047  }
0x14b: {  	s0 =	stileid.u32;
	[bflag:$0x2] =	sbarrier.arrive $0xFFFF  }
0x14c: {  	p0 =	sne.s32 s0, $0x0;
	s0 =	rddreg [dreg:$0x5]  }
0x14d: {  	s0 =	sadd.s32 @!p0 $0x100000, s0  }
0x14e: {  	[sflag:s0] =	ssyncadd.tile.s32 @!p0 $0x1;
	_ =	shalt  }
.Lfunc_end2:
_tile_overlayer_lowered:
.L_overlay_start_2:
0x14f: {  	(tag) =	ssettag $0x2  }
0x150: {  	s0 =	rddreg [dreg:$0x0];
	s2 =	stileid.u32  }
0x151: {  	s1 =	rddreg [dreg:$0x1];
	p0 =	sne.s32 s2, $0x0  }
0x152: {  	s3 =	rddreg [dreg:$0x2];
	[bflag:$0x3] =	sbarrier.arrive $0xFFFF;
	s2 =	simm.s32 @!p0 $0x1C04  }
0x153: {  	[timem:s3], [sflag:s2] =	dma.local @!p0 [hbm:s0], s1  }
0x154: {  	s0 =	simm.s32 @!p0 $0x4  }
0x155: {  	_ =	swait.ge @!p0 [sflag:s0], s1  }
0x156: {  	s1 =	ssub.s32 @!p0 $0x0, s1;
	[sflag:s0] =	ssyncset.done @!p0 $0x0  }
0x157: {  	[sflag:s0] =	ssyncadd.s32 @!p0 s1  }
0x158: {  	[bflag:$0x3] =	sbarrier.arrive $0xFFFF  }
0x159: {  	_ =	shalt  }

</sc_bundles>
